<compile_context>
chip_gen: v7x
topology: tpu7x:2x2x1
jax: 0.10.2.dev20260603
libtpu: 0.0.44.dev20260713+nightly
codegen_flags: <defaults>
</compile_context>

<pallas_src>
import functools

import jax
import jax.numpy as jnp
import numpy as np
from jax import lax
from jax.experimental import pallas as pl
from jax.experimental.pallas import tpu as pltpu
from jax.experimental.pallas import tpu_sc as plsc

HARD_NEG_MAX = 34.0
EASY_NEG_MAX = 15.0
POS_MAX = 18.0
LOGIT_THRESHOLD = float(np.log(np.float32(0.3)) - np.log(np.float32(0.7)))

B, H, W = 16, 384, 384
HROWS = H // 2
R = 8
NCH = H // R
NCH_HALF = HROWS // R
CSTEPS = W // 16
FR = 96
NFILL = HROWS // FR


def _sc_body(mask_h, pos_h, pred_h, out_h,
             m_v, p_v, pr_v, o_v, f_v, dsem, fsem):
    c = lax.axis_index("c")
    s = lax.axis_index("s")
    batch = c * 8 + s // 2
    half_id = s % 2
    is_first = (half_id == 0)

    def scan_range(lo, hi, carry0):

        def chunk_body(carry):
            i, h, e, q = carry
            r = i * R
            cp_m = pltpu.make_async_copy(
                mask_h.at[batch, pl.ds(r, R), :], m_v, dsem)
            cp_p = pltpu.make_async_copy(
                pos_h.at[batch, pl.ds(r, R), :], p_v, dsem)
            cp_s = pltpu.make_async_copy(
                pred_h.at[batch, pl.ds(r * 6, R * 6), :], pr_v, dsem)
            cp_m.start()
            cp_p.start()
            cp_s.start()
            cp_m.wait()
            cp_p.wait()
            cp_s.wait()

            def row_step(rr, carry2):
                def col_step(cc, carry3):
                    h, e, q = carry3
                    mv = m_v[rr, pl.ds(cc * 16, 16)]
                    pv = p_v[rr, pl.ds(cc * 16, 16)]
                    wt = cc // 8
                    off = (cc % 8) * 16
                    a0 = pr_v[rr * 6 + wt * 2, pl.ds(off, 16)]
                    a1 = pr_v[rr * 6 + wt * 2 + 1, pl.ds(off, 16)]
                    sv = jnp.where(a1 - a0 >= LOGIT_THRESHOLD, 1.0, 0.0)
                    ng = mv * sv
                    cn = plsc.cumsum(ng) + h
                    cm = plsc.cumsum(mv) + e
                    cq = plsc.cumsum(pv) + q
                    kh = jnp.where(cn <= HARD_NEG_MAX, ng, 0.0)
                    ke = jnp.where(cm <= EASY_NEG_MAX, mv, 0.0)
                    kq = jnp.where(cq <= POS_MAX, pv, 0.0)
                    lab = jnp.where(kh + ke >= 1.0, 0.0, -1.0) + 2.0 * kq
                    o_v[rr, pl.ds(cc * 16, 16)] = lab
                    return jnp.max(cn), jnp.max(cm), jnp.max(cq)

                return lax.fori_loop(0, CSTEPS, col_step, carry2)

            h, e, q = lax.fori_loop(0, R, row_step, (h, e, q))
            cp_o = pltpu.make_async_copy(
                o_v, out_h.at[batch, pl.ds(r, R), :], dsem)
            cp_o.start()
            cp_o.wait()
            return i + 1, h, e, q

        def chunk_cond(carry):
            i, h, e, q = carry
            sat = ((h >= HARD_NEG_MAX) & (e >= EASY_NEG_MAX) & (q >= POS_MAX))
            return (i < hi) & jnp.logical_not(sat)

        h0, e0, q0 = carry0
        return lax.while_loop(chunk_cond, chunk_body, (lo, h0, e0, q0))

    def init_fill(k, _):
        def init_row(cc, _):
            f_v[k, pl.ds(cc * 16, 16)] = jnp.full((16,), -1.0, jnp.float32)
            return 0

        lax.fori_loop(0, CSTEPS, init_row, 0)
        return 0

    lax.fori_loop(0, FR, init_fill, 0)

    row0 = half_id * HROWS
    for k in range(NFILL):
        pltpu.make_async_copy(
            f_v, out_h.at[batch, pl.ds(row0 + k * FR, FR), :], fsem).start()
    for k in range(NFILL):
        pltpu.make_async_copy(
            f_v, out_h.at[batch, pl.ds(row0 + k * FR, FR), :], fsem).wait()

    zero = jnp.float32(0.0)
    hi_a = jnp.where(is_first, jnp.int32(NCH_HALF), jnp.int32(0))
    _, h, e, q = scan_range(jnp.int32(0), hi_a, (zero, zero, zero))

    plsc.subcore_barrier()

    hi_b = jnp.where(is_first, jnp.int32(NCH), jnp.int32(0))
    scan_range(jnp.int32(NCH_HALF), hi_b, (h, e, q))


@functools.partial(
    pl.kernel,
    out_type=jax.ShapeDtypeStruct((B, H, W), jnp.float32),
    mesh=plsc.VectorSubcoreMesh(core_axis_name="c", subcore_axis_name="s"),
    compiler_params=pltpu.CompilerParams(needs_layout_passes=False),
    scratch_types=[
        pltpu.VMEM((R, W), jnp.float32),
        pltpu.VMEM((R, W), jnp.float32),
        pltpu.VMEM((R * 6, 128), jnp.float32),
        pltpu.VMEM((R, W), jnp.float32),
        pltpu.VMEM((FR, W), jnp.float32),
        pltpu.SemaphoreType.DMA,
        pltpu.SemaphoreType.DMA,
    ],
)
def _label_update_sc(mask_h, pos_h, pred_h, out_h, *scratch):
    _sc_body(mask_h, pos_h, pred_h, out_h, *scratch)


@jax.jit
def kernel(mask, pos_label, pred):
    pred_view = (
        pred.reshape(B, H, 3, 128, 2)
        .transpose(0, 1, 2, 4, 3)
        .reshape(B, H * 6, 128)
    )
    return _label_update_sc(mask, pos_label, pred_view)

# --- scband reference (transcript-rebuilt; emitter-appended) ---
"""Pipeline reference for scband-label-update-38534446579950 (READ-ONLY COPY).

The authoritative reference and input builder live on the scoring server;
editing this copy changes nothing except your own understanding.
"""

import jax, jax.numpy as jnp
import numpy as np

# The original layer draws max_num via random.randint at trace time; we fix them
# to the midpoints of their ranges for determinism (hard in [32,36], easy in [12,18], pos in [16,20]).
HARD_NEG_MAX = 34
EASY_NEG_MAX = 15
POS_MAX = 18
THRESHOLD = 0.3


def _random_choice(label, max_num):
    # Faithful to LabelUpdate.random_choice semantics: per batch element, keep at
    # most `max_num` of the positions where label == 1.0 (deterministic variant:
    # keep the first max_num ones in row-major order via a cumulative sum).
    b = label.shape[0]
    flat = label.reshape(b, -1)
    csum = jnp.cumsum(flat, axis=1)
    keep = flat * (csum <= float(max_num)).astype(flat.dtype)
    return keep.reshape(label.shape)


def setup_inputs(seed: int = 0) -> dict:
    key = jax.random.key(seed)
    k1, k2, k3 = jax.random.split(key, 3)
    B, H, W = 16, 384, 384
    # Binary masks, sparse enough that counts of ones exceed the max_num caps
    mask = (jax.random.uniform(k1, (B, H, W)) < 0.02).astype(jnp.float32)
    pos_label = (jax.random.uniform(k2, (B, H, W)) < 0.005).astype(jnp.float32)
    pred = jax.random.normal(k3, (B, H, W, 2), dtype=jnp.float32)
    return {"mask": mask, "pos_label": pos_label, "pred": pred}


def reference(mask, pos_label, pred):
    pred = jax.lax.stop_gradient(pred)
    score = jax.nn.softmax(pred, axis=-1)[..., 1]
    score = (score >= THRESHOLD).astype(jnp.float32)
    neg_label = mask * score
    empty_label = jnp.ones_like(mask, dtype=jnp.float32)
    hard_neg_label = _random_choice(neg_label, HARD_NEG_MAX)
    easy_neg_label = _random_choice(mask, EASY_NEG_MAX)
    neg = hard_neg_label + easy_neg_label
    neg = (neg >= 1.0).astype(jnp.float32)
    pos = _random_choice(pos_label, POS_MAX)
    label = -1.0 * empty_label + 1.0 * neg + 2.0 * pos
    return jax.lax.stop_gradient(label)

if __name__ == "__main__":
    import jax
    _d = setup_inputs()
    print(jax.jit(kernel)(*tuple(_d.values())))

</pallas_src>

<mosaic_0001>
#map = affine_map<(d0, d1) -> (0, 0, 0)>
module attributes {stable_mosaic.version = 14 : i64} {
  func.func @_label_update_sc(%arg0: i32, %arg1: i32, %arg2: memref<16x384x384xf32, #tpu.memory_space<hbm>>, %arg3: memref<16x384x384xf32, #tpu.memory_space<hbm>>, %arg4: memref<16x2304x128xf32, #tpu.memory_space<hbm>>, %arg5: memref<16x384x384xf32, #tpu.memory_space<hbm>>, %arg6: memref<8x384xf32, #tpu.memory_space<vmem>>, %arg7: memref<8x384xf32, #tpu.memory_space<vmem>>, %arg8: memref<48x128xf32, #tpu.memory_space<vmem>>, %arg9: memref<8x384xf32, #tpu.memory_space<vmem>>, %arg10: memref<96x384xf32, #tpu.memory_space<vmem>>, %arg11: memref<!tpu.dma_semaphore, #tpu.memory_space<semaphore_mem>>, %arg12: memref<!tpu.dma_semaphore, #tpu.memory_space<semaphore_mem>>) attributes {dimension_semantics = [#tpu.dimension_semantics<core_parallel>, #tpu.dimension_semantics<subcore_parallel>], iteration_bounds = array<i64: 2, 16>, scalar_prefetch = 0 : i64, scratch_operands = 7 : i64, tpu.core_type = #tpu.core_type<sc_vector_subcore>, window_params = [{transform_indices = #map}, {transform_indices = #map}, {transform_indices = #map}, {transform_indices = #map}]} {
    %mul3A = arith.constant 8 : i32
    %mul3A_0 = arith.muli %arg0, %mul3A : i32
    %jit3A = arith.constant 2 : i32
    %div3A = arith.divsi %arg1, %jit3A : i32
    %sign3A = arith.constant 0 : i32
    %sign3A_1 = arith.cmpi sgt, %arg1, %sign3A : i32
    %sign3A_2 = arith.extui %sign3A_1 : i1 to i32
    %sign3A_3 = arith.constant 0 : i32
    %sign3A_4 = arith.cmpi slt, %arg1, %sign3A_3 : i32
    %sign3A_5 = arith.extui %sign3A_4 : i1 to i32
    %sign3A_6 = arith.subi %sign3A_2, %sign3A_5 : i32
    %sign3A_7 = arith.constant 0 : i32
    %sign3A_8 = arith.cmpi sgt, %jit3A, %sign3A_7 : i32
    %sign3A_9 = arith.extui %sign3A_8 : i1 to i32
    %sign3A_10 = arith.constant 0 : i32
    %sign3A_11 = arith.cmpi slt, %jit3A, %sign3A_10 : i32
    %sign3A_12 = arith.extui %sign3A_11 : i1 to i32
    %sign3A_13 = arith.subi %sign3A_9, %sign3A_12 : i32
    %ne3A = arith.cmpi ne, %sign3A_6, %sign3A_13 : i32
    %rem3A = arith.remsi %arg1, %jit3A : i32
    %ne3A_14 = arith.constant 0 : i32
    %ne3A_15 = arith.cmpi ne, %rem3A, %ne3A_14 : i32
    %and3A = arith.andi %ne3A, %ne3A_15 : i1
    %sub3A = arith.constant 1 : i32
    %sub3A_16 = arith.subi %div3A, %sub3A : i32
    %select_n3A = arith.select %and3A, %sub3A_16, %div3A : i32
    %add3A = arith.addi %mul3A_0, %select_n3A : i32
    %jit3A_17 = arith.constant 2 : i32
    %eq3A = arith.constant 0 : i32
    %eq3A_18 = arith.cmpi eq, %jit3A_17, %eq3A : i32
    %jit3A_19 = arith.constant 1 : i32
    %select_n3A_20 = arith.select %eq3A_18, %jit3A_19, %jit3A_17 : i32
    %rem3A_21 = arith.remsi %arg1, %select_n3A_20 : i32
    %ne3A_22 = arith.constant 0 : i32
    %ne3A_23 = arith.cmpi ne, %rem3A_21, %ne3A_22 : i32
    %lt3A = arith.constant 0 : i32
    %lt3A_24 = arith.cmpi slt, %rem3A_21, %lt3A : i32
    %lt3A_25 = arith.constant 0 : i32
    %lt3A_26 = arith.cmpi slt, %select_n3A_20, %lt3A_25 : i32
    %ne3A_27 = arith.xori %lt3A_24, %lt3A_26 : i1
    %and3A_28 = arith.andi %ne3A_27, %ne3A_23 : i1
    %add3A_29 = arith.addi %rem3A_21, %select_n3A_20 : i32
    %select_n3A_30 = arith.select %and3A_28, %add3A_29, %rem3A_21 : i32
    %eq3A_31 = arith.constant 0 : i32
    %eq3A_32 = arith.cmpi eq, %select_n3A_30, %eq3A_31 : i32
    %scan3A = arith.constant 0 : i32
    %scan3A_33 = arith.constant 0 : i32
    %scan3A_34 = arith.constant 96 : i32
    %scan3A_35 = arith.addi %scan3A_33, %scan3A_34 : i32
    %scan3A_36 = arith.constant 1 : i32
    %scan3A_37 = scf.for %scan3A_83 = %scan3A_33 to %scan3A_35 step %scan3A_36 iter_args(%scan3A_84 = %scan3A) -> (i32)  : i32 {
      %scan3A_85 = arith.constant 0 : i32
      %scan3A_86 = arith.constant 0 : i32
      %scan3A_87 = arith.constant 24 : i32
      %scan3A_88 = arith.addi %scan3A_86, %scan3A_87 : i32
      %scan3A_89 = arith.constant 1 : i32
      %scan3A_90 = scf.for %scan3A_93 = %scan3A_86 to %scan3A_88 step %scan3A_89 iter_args(%scan3A_94 = %scan3A_85) -> (i32)  : i32 {
        %broadcast_in_dim3A = arith.constant -1.000000e+00 : f32
        %broadcast_in_dim3A_95 = vector.broadcast %broadcast_in_dim3A : f32 to vector<16xf32>
        %mul3A_96 = arith.constant 16 : i32
        %mul3A_97 = arith.muli %scan3A_93, %mul3A_96 : i32
        %swap3A = arith.index_cast %scan3A_83 : i32 to index
        %swap3A_98 = arith.index_cast %mul3A_97 : i32 to index
        %swap3A_99 = tpu.vector_load %arg10[%swap3A, %swap3A_98] {strides = array<i32>} : memref<96x384xf32, #tpu.memory_space<vmem>>, vector<16xf32>,
        tpu.vector_store %arg10[%swap3A, %swap3A_98], %broadcast_in_dim3A_95 {strides = array<i32>} : memref<96x384xf32, #tpu.memory_space<vmem>>, vector<16xf32>,
        %scan3A_100 = arith.constant 0 : i32
        scf.yield %scan3A_100 : i32
      }
      %scan3A_91 = arith.constant 24 : i32
      %scan3A_92 = arith.constant 0 : i32
      scf.yield %scan3A_92 : i32
    }
    %scan3A_38 = arith.constant 96 : i32
    %mul3A_39 = arith.constant 192 : i32
    %mul3A_40 = arith.muli %select_n3A_30, %mul3A_39 : i32
    %add3A_41 = arith.constant 0 : i32
    %add3A_42 = arith.addi %mul3A_40, %add3A_41 : i32
    %dma_start3A = arith.constant 0 : i32
    %dma_start3A_43 = tpu.memref_slice %arg5[%add3A, %add3A_42, %dma_start3A] : memref<16x384x384xf32, #tpu.memory_space<hbm>> -> memref<1x96x384xf32, #tpu.memory_space<hbm>>
    %dma_start3A_44 = tpu.memref_squeeze %dma_start3A_43 : memref<1x96x384xf32, #tpu.memory_space<hbm>> -> memref<96x384xf32, #tpu.memory_space<hbm>>
    %dma_start3A_45 = arith.constant 0 : i32
    %dma_start3A_46 = tpu.memref_slice %arg5[%add3A, %add3A_42, %dma_start3A_45] : memref<16x384x384xf32, #tpu.memory_space<hbm>> -> memref<1x96x384xf32, #tpu.memory_space<hbm>>
    %dma_start3A_47 = tpu.memref_squeeze %dma_start3A_46 : memref<1x96x384xf32, #tpu.memory_space<hbm>> -> memref<96x384xf32, #tpu.memory_space<hbm>>
    tpu.enqueue_dma source(%arg10 : memref<96x384xf32, #tpu.memory_space<vmem>>) target(%dma_start3A_47 : memref<96x384xf32, #tpu.memory_space<hbm>>) target_semaphore(%arg12 : memref<!tpu.dma_semaphore, #tpu.memory_space<semaphore_mem>>)
    %add3A_48 = arith.constant 96 : i32
    %add3A_49 = arith.addi %mul3A_40, %add3A_48 : i32
    %dma_start3A_50 = arith.constant 0 : i32
    %dma_start3A_51 = tpu.memref_slice %arg5[%add3A, %add3A_49, %dma_start3A_50] : memref<16x384x384xf32, #tpu.memory_space<hbm>> -> memref<1x96x384xf32, #tpu.memory_space<hbm>>
    %dma_start3A_52 = tpu.memref_squeeze %dma_start3A_51 : memref<1x96x384xf32, #tpu.memory_space<hbm>> -> memref<96x384xf32, #tpu.memory_space<hbm>>
    %dma_start3A_53 = arith.constant 0 : i32
    %dma_start3A_54 = tpu.memref_slice %arg5[%add3A, %add3A_49, %dma_start3A_53] : memref<16x384x384xf32, #tpu.memory_space<hbm>> -> memref<1x96x384xf32, #tpu.memory_space<hbm>>
    %dma_start3A_55 = tpu.memref_squeeze %dma_start3A_54 : memref<1x96x384xf32, #tpu.memory_space<hbm>> -> memref<96x384xf32, #tpu.memory_space<hbm>>
    tpu.enqueue_dma source(%arg10 : memref<96x384xf32, #tpu.memory_space<vmem>>) target(%dma_start3A_55 : memref<96x384xf32, #tpu.memory_space<hbm>>) target_semaphore(%arg12 : memref<!tpu.dma_semaphore, #tpu.memory_space<semaphore_mem>>)
    %add3A_56 = arith.constant 0 : i32
    %add3A_57 = arith.addi %mul3A_40, %add3A_56 : i32
    %dma_wait3A = arith.constant 0 : i32
    %dma_wait3A_58 = tpu.memref_slice %arg5[%add3A, %add3A_57, %dma_wait3A] : memref<16x384x384xf32, #tpu.memory_space<hbm>> -> memref<1x96x384xf32, #tpu.memory_space<hbm>>
    %dma_wait3A_59 = tpu.memref_squeeze %dma_wait3A_58 : memref<1x96x384xf32, #tpu.memory_space<hbm>> -> memref<96x384xf32, #tpu.memory_space<hbm>>
    %dma_wait3A_60 = arith.constant 0 : i32
    %dma_wait3A_61 = tpu.memref_slice %arg5[%add3A, %add3A_57, %dma_wait3A_60] : memref<16x384x384xf32, #tpu.memory_space<hbm>> -> memref<1x96x384xf32, #tpu.memory_space<hbm>>
    %dma_wait3A_62 = tpu.memref_squeeze %dma_wait3A_61 : memref<1x96x384xf32, #tpu.memory_space<hbm>> -> memref<96x384xf32, #tpu.memory_space<hbm>>
    tpu.wait_dma2 semaphore(%arg12 : memref<!tpu.dma_semaphore, #tpu.memory_space<semaphore_mem>>) src(%arg10 : memref<96x384xf32, #tpu.memory_space<vmem>>) dst(%dma_wait3A_62 : memref<96x384xf32, #tpu.memory_space<hbm>>)
    %add3A_63 = arith.constant 96 : i32
    %add3A_64 = arith.addi %mul3A_40, %add3A_63 : i32
    %dma_wait3A_65 = arith.constant 0 : i32
    %dma_wait3A_66 = tpu.memref_slice %arg5[%add3A, %add3A_64, %dma_wait3A_65] : memref<16x384x384xf32, #tpu.memory_space<hbm>> -> memref<1x96x384xf32, #tpu.memory_space<hbm>>
    %dma_wait3A_67 = tpu.memref_squeeze %dma_wait3A_66 : memref<1x96x384xf32, #tpu.memory_space<hbm>> -> memref<96x384xf32, #tpu.memory_space<hbm>>
    %dma_wait3A_68 = arith.constant 0 : i32
    %dma_wait3A_69 = tpu.memref_slice %arg5[%add3A, %add3A_64, %dma_wait3A_68] : memref<16x384x384xf32, #tpu.memory_space<hbm>> -> memref<1x96x384xf32, #tpu.memory_space<hbm>>
    %dma_wait3A_70 = tpu.memref_squeeze %dma_wait3A_69 : memref<1x96x384xf32, #tpu.memory_space<hbm>> -> memref<96x384xf32, #tpu.memory_space<hbm>>
    tpu.wait_dma2 semaphore(%arg12 : memref<!tpu.dma_semaphore, #tpu.memory_space<semaphore_mem>>) src(%arg10 : memref<96x384xf32, #tpu.memory_space<vmem>>) dst(%dma_wait3A_70 : memref<96x384xf32, #tpu.memory_space<hbm>>)
    %jit3A_71 = arith.constant 24 : i32
    %jit3A_72 = arith.constant 0 : i32
    %select_n3A_73 = arith.select %eq3A_32, %jit3A_71, %jit3A_72 : i32
    %while3A = arith.constant 0 : i32
    %while3A_74 = arith.constant 0.000000e+00 : f32
    %while3A_75 = arith.constant 0.000000e+00 : f32
    %while3A_76 = arith.constant 0.000000e+00 : f32
    %while3A_77:4 = scf.while (%while3A_83 = %while3A, %while3A_84 = %while3A_74, %while3A_85 = %while3A_75, %while3A_86 = %while3A_76) : (i32, f32, f32, f32) -> (i32, f32, f32, f32) {
      %ge3A = arith.constant 3.400000e+01 : f32
      %ge3A_87 = arith.cmpf oge, %while3A_84, %ge3A : f32
      %ge3A_88 = arith.constant 1.500000e+01 : f32
      %ge3A_89 = arith.cmpf oge, %while3A_85, %ge3A_88 : f32
      %and3A_90 = arith.andi %ge3A_87, %ge3A_89 : i1
      %ge3A_91 = arith.constant 1.800000e+01 : f32
      %ge3A_92 = arith.cmpf oge, %while3A_86, %ge3A_91 : f32
      %and3A_93 = arith.andi %and3A_90, %ge3A_92 : i1
      %lt3A_94 = arith.cmpi slt, %while3A_83, %select_n3A_73 : i32
      %not3A = arith.constant true
      %not3A_95 = arith.xori %and3A_93, %not3A : i1
      %and3A_96 = arith.andi %lt3A_94, %not3A_95 : i1
      scf.condition(%and3A_96) %while3A_83, %while3A_84, %while3A_85, %while3A_86 : i32, f32, f32, f32
    } do {
    ^bb0(%while3A_83: i32, %while3A_84: f32, %while3A_85: f32, %while3A_86: f32):
      %mul3A_87 = arith.constant 8 : i32
      %mul3A_88 = arith.muli %while3A_83, %mul3A_87 : i32
      %mul3A_89 = arith.constant 6 : i32
      %mul3A_90 = arith.muli %mul3A_88, %mul3A_89 : i32
      %dma_start3A_91 = arith.constant 0 : i32
      %dma_start3A_92 = tpu.memref_slice %arg2[%add3A, %mul3A_88, %dma_start3A_91] : memref<16x384x384xf32, #tpu.memory_space<hbm>> -> memref<1x8x384xf32, #tpu.memory_space<hbm>>
      %dma_start3A_93 = tpu.memref_squeeze %dma_start3A_92 : memref<1x8x384xf32, #tpu.memory_space<hbm>> -> memref<8x384xf32, #tpu.memory_space<hbm>>
      %dma_start3A_94 = arith.constant 0 : i32
      %dma_start3A_95 = tpu.memref_slice %arg2[%add3A, %mul3A_88, %dma_start3A_94] : memref<16x384x384xf32, #tpu.memory_space<hbm>> -> memref<1x8x384xf32, #tpu.memory_space<hbm>>
      %dma_start3A_96 = tpu.memref_squeeze %dma_start3A_95 : memref<1x8x384xf32, #tpu.memory_space<hbm>> -> memref<8x384xf32, #tpu.memory_space<hbm>>
      tpu.enqueue_dma source(%dma_start3A_96 : memref<8x384xf32, #tpu.memory_space<hbm>>) target(%arg6 : memref<8x384xf32, #tpu.memory_space<vmem>>) target_semaphore(%arg11 : memref<!tpu.dma_semaphore, #tpu.memory_space<semaphore_mem>>)
      %dma_start3A_97 = arith.constant 0 : i32
      %dma_start3A_98 = tpu.memref_slice %arg3[%add3A, %mul3A_88, %dma_start3A_97] : memref<16x384x384xf32, #tpu.memory_space<hbm>> -> memref<1x8x384xf32, #tpu.memory_space<hbm>>
      %dma_start3A_99 = tpu.memref_squeeze %dma_start3A_98 : memref<1x8x384xf32, #tpu.memory_space<hbm>> -> memref<8x384xf32, #tpu.memory_space<hbm>>
      %dma_start3A_100 = arith.constant 0 : i32
      %dma_start3A_101 = tpu.memref_slice %arg3[%add3A, %mul3A_88, %dma_start3A_100] : memref<16x384x384xf32, #tpu.memory_space<hbm>> -> memref<1x8x384xf32, #tpu.memory_space<hbm>>
      %dma_start3A_102 = tpu.memref_squeeze %dma_start3A_101 : memref<1x8x384xf32, #tpu.memory_space<hbm>> -> memref<8x384xf32, #tpu.memory_space<hbm>>
      tpu.enqueue_dma source(%dma_start3A_102 : memref<8x384xf32, #tpu.memory_space<hbm>>) target(%arg7 : memref<8x384xf32, #tpu.memory_space<vmem>>) target_semaphore(%arg11 : memref<!tpu.dma_semaphore, #tpu.memory_space<semaphore_mem>>)
      %dma_start3A_103 = arith.constant 0 : i32
      %dma_start3A_104 = tpu.memref_slice %arg4[%add3A, %mul3A_90, %dma_start3A_103] : memref<16x2304x128xf32, #tpu.memory_space<hbm>> -> memref<1x48x128xf32, #tpu.memory_space<hbm>>
      %dma_start3A_105 = tpu.memref_squeeze %dma_start3A_104 : memref<1x48x128xf32, #tpu.memory_space<hbm>> -> memref<48x128xf32, #tpu.memory_space<hbm>>
      %dma_start3A_106 = arith.constant 0 : i32
      %dma_start3A_107 = tpu.memref_slice %arg4[%add3A, %mul3A_90, %dma_start3A_106] : memref<16x2304x128xf32, #tpu.memory_space<hbm>> -> memref<1x48x128xf32, #tpu.memory_space<hbm>>
      %dma_start3A_108 = tpu.memref_squeeze %dma_start3A_107 : memref<1x48x128xf32, #tpu.memory_space<hbm>> -> memref<48x128xf32, #tpu.memory_space<hbm>>
      tpu.enqueue_dma source(%dma_start3A_108 : memref<48x128xf32, #tpu.memory_space<hbm>>) target(%arg8 : memref<48x128xf32, #tpu.memory_space<vmem>>) target_semaphore(%arg11 : memref<!tpu.dma_semaphore, #tpu.memory_space<semaphore_mem>>)
      %dma_wait3A_109 = arith.constant 0 : i32
      %dma_wait3A_110 = tpu.memref_slice %arg2[%add3A, %mul3A_88, %dma_wait3A_109] : memref<16x384x384xf32, #tpu.memory_space<hbm>> -> memref<1x8x384xf32, #tpu.memory_space<hbm>>
      %dma_wait3A_111 = tpu.memref_squeeze %dma_wait3A_110 : memref<1x8x384xf32, #tpu.memory_space<hbm>> -> memref<8x384xf32, #tpu.memory_space<hbm>>
      %dma_wait3A_112 = arith.constant 0 : i32
      %dma_wait3A_113 = tpu.memref_slice %arg2[%add3A, %mul3A_88, %dma_wait3A_112] : memref<16x384x384xf32, #tpu.memory_space<hbm>> -> memref<1x8x384xf32, #tpu.memory_space<hbm>>
      %dma_wait3A_114 = tpu.memref_squeeze %dma_wait3A_113 : memref<1x8x384xf32, #tpu.memory_space<hbm>> -> memref<8x384xf32, #tpu.memory_space<hbm>>
      tpu.wait_dma2 semaphore(%arg11 : memref<!tpu.dma_semaphore, #tpu.memory_space<semaphore_mem>>) src(%dma_wait3A_114 : memref<8x384xf32, #tpu.memory_space<hbm>>) dst(%arg6 : memref<8x384xf32, #tpu.memory_space<vmem>>)
      %dma_wait3A_115 = arith.constant 0 : i32
      %dma_wait3A_116 = tpu.memref_slice %arg3[%add3A, %mul3A_88, %dma_wait3A_115] : memref<16x384x384xf32, #tpu.memory_space<hbm>> -> memref<1x8x384xf32, #tpu.memory_space<hbm>>
      %dma_wait3A_117 = tpu.memref_squeeze %dma_wait3A_116 : memref<1x8x384xf32, #tpu.memory_space<hbm>> -> memref<8x384xf32, #tpu.memory_space<hbm>>
      %dma_wait3A_118 = arith.constant 0 : i32
      %dma_wait3A_119 = tpu.memref_slice %arg3[%add3A, %mul3A_88, %dma_wait3A_118] : memref<16x384x384xf32, #tpu.memory_space<hbm>> -> memref<1x8x384xf32, #tpu.memory_space<hbm>>
      %dma_wait3A_120 = tpu.memref_squeeze %dma_wait3A_119 : memref<1x8x384xf32, #tpu.memory_space<hbm>> -> memref<8x384xf32, #tpu.memory_space<hbm>>
      tpu.wait_dma2 semaphore(%arg11 : memref<!tpu.dma_semaphore, #tpu.memory_space<semaphore_mem>>) src(%dma_wait3A_120 : memref<8x384xf32, #tpu.memory_space<hbm>>) dst(%arg7 : memref<8x384xf32, #tpu.memory_space<vmem>>)
      %dma_wait3A_121 = arith.constant 0 : i32
      %dma_wait3A_122 = tpu.memref_slice %arg4[%add3A, %mul3A_90, %dma_wait3A_121] : memref<16x2304x128xf32, #tpu.memory_space<hbm>> -> memref<1x48x128xf32, #tpu.memory_space<hbm>>
      %dma_wait3A_123 = tpu.memref_squeeze %dma_wait3A_122 : memref<1x48x128xf32, #tpu.memory_space<hbm>> -> memref<48x128xf32, #tpu.memory_space<hbm>>
      %dma_wait3A_124 = arith.constant 0 : i32
      %dma_wait3A_125 = tpu.memref_slice %arg4[%add3A, %mul3A_90, %dma_wait3A_124] : memref<16x2304x128xf32, #tpu.memory_space<hbm>> -> memref<1x48x128xf32, #tpu.memory_space<hbm>>
      %dma_wait3A_126 = tpu.memref_squeeze %dma_wait3A_125 : memref<1x48x128xf32, #tpu.memory_space<hbm>> -> memref<48x128xf32, #tpu.memory_space<hbm>>
      tpu.wait_dma2 semaphore(%arg11 : memref<!tpu.dma_semaphore, #tpu.memory_space<semaphore_mem>>) src(%dma_wait3A_126 : memref<48x128xf32, #tpu.memory_space<hbm>>) dst(%arg8 : memref<48x128xf32, #tpu.memory_space<vmem>>)
      %scan3A_127 = arith.constant 0 : i32
      %scan3A_128 = arith.constant 8 : i32
      %scan3A_129 = arith.addi %scan3A_127, %scan3A_128 : i32
      %scan3A_130 = arith.constant 1 : i32
      %scan3A_131:3 = scf.for %scan3A_147 = %scan3A_127 to %scan3A_129 step %scan3A_130 iter_args(%scan3A_148 = %while3A_84, %scan3A_149 = %while3A_85, %scan3A_150 = %while3A_86) -> (f32, f32, f32)  : i32 {
        %scan3A_151 = arith.constant 0 : i32
        %scan3A_152 = arith.constant 24 : i32
        %scan3A_153 = arith.addi %scan3A_151, %scan3A_152 : i32
        %scan3A_154 = arith.constant 1 : i32
        %scan3A_155:3 = scf.for %scan3A_157 = %scan3A_151 to %scan3A_153 step %scan3A_154 iter_args(%scan3A_158 = %scan3A_148, %scan3A_159 = %scan3A_149, %scan3A_160 = %scan3A_150) -> (f32, f32, f32)  : i32 {
          %mul3A_161 = arith.constant 16 : i32
          %mul3A_162 = arith.muli %scan3A_157, %mul3A_161 : i32
          %get3A = arith.index_cast %scan3A_147 : i32 to index
          %get3A_163 = arith.index_cast %mul3A_162 : i32 to index
          %get3A_164 = tpu.vector_load %arg6[%get3A, %get3A_163] {strides = array<i32>} : memref<8x384xf32, #tpu.memory_space<vmem>>, vector<16xf32>,
          %mul3A_165 = arith.constant 16 : i32
          %mul3A_166 = arith.muli %scan3A_157, %mul3A_165 : i32
          %get3A_167 = arith.index_cast %scan3A_147 : i32 to index
          %get3A_168 = arith.index_cast %mul3A_166 : i32 to index
          %get3A_169 = tpu.vector_load %arg7[%get3A_167, %get3A_168] {strides = array<i32>} : memref<8x384xf32, #tpu.memory_space<vmem>>, vector<16xf32>,
          %jit3A_170 = arith.constant 8 : i32
          %div3A_171 = arith.divsi %scan3A_157, %jit3A_170 : i32
          %sign3A_172 = arith.constant 0 : i32
          %sign3A_173 = arith.cmpi sgt, %scan3A_157, %sign3A_172 : i32
          %sign3A_174 = arith.extui %sign3A_173 : i1 to i32
          %sign3A_175 = arith.constant 0 : i32
          %sign3A_176 = arith.cmpi slt, %scan3A_157, %sign3A_175 : i32
          %sign3A_177 = arith.extui %sign3A_176 : i1 to i32
          %sign3A_178 = arith.subi %sign3A_174, %sign3A_177 : i32
          %sign3A_179 = arith.constant 0 : i32
          %sign3A_180 = arith.cmpi sgt, %jit3A_170, %sign3A_179 : i32
          %sign3A_181 = arith.extui %sign3A_180 : i1 to i32
          %sign3A_182 = arith.constant 0 : i32
          %sign3A_183 = arith.cmpi slt, %jit3A_170, %sign3A_182 : i32
          %sign3A_184 = arith.extui %sign3A_183 : i1 to i32
          %sign3A_185 = arith.subi %sign3A_181, %sign3A_184 : i32
          %ne3A_186 = arith.cmpi ne, %sign3A_178, %sign3A_185 : i32
          %rem3A_187 = arith.remsi %scan3A_157, %jit3A_170 : i32
          %ne3A_188 = arith.constant 0 : i32
          %ne3A_189 = arith.cmpi ne, %rem3A_187, %ne3A_188 : i32
          %and3A_190 = arith.andi %ne3A_186, %ne3A_189 : i1
          %sub3A_191 = arith.constant 1 : i32
          %sub3A_192 = arith.subi %div3A_171, %sub3A_191 : i32
          %select_n3A_193 = arith.select %and3A_190, %sub3A_192, %div3A_171 : i32
          %jit3A_194 = arith.constant 8 : i32
          %eq3A_195 = arith.constant 0 : i32
          %eq3A_196 = arith.cmpi eq, %jit3A_194, %eq3A_195 : i32
          %jit3A_197 = arith.constant 1 : i32
          %select_n3A_198 = arith.select %eq3A_196, %jit3A_197, %jit3A_194 : i32
          %rem3A_199 = arith.remsi %scan3A_157, %select_n3A_198 : i32
          %ne3A_200 = arith.constant 0 : i32
          %ne3A_201 = arith.cmpi ne, %rem3A_199, %ne3A_200 : i32
          %lt3A_202 = arith.constant 0 : i32
          %lt3A_203 = arith.cmpi slt, %rem3A_199, %lt3A_202 : i32
          %lt3A_204 = arith.constant 0 : i32
          %lt3A_205 = arith.cmpi slt, %select_n3A_198, %lt3A_204 : i32
          %ne3A_206 = arith.xori %lt3A_203, %lt3A_205 : i1
          %and3A_207 = arith.andi %ne3A_206, %ne3A_201 : i1
          %add3A_208 = arith.addi %rem3A_199, %select_n3A_198 : i32
          %select_n3A_209 = arith.select %and3A_207, %add3A_208, %rem3A_199 : i32
          %mul3A_210 = arith.constant 16 : i32
          %mul3A_211 = arith.muli %select_n3A_209, %mul3A_210 : i32
          %mul3A_212 = arith.constant 6 : i32
          %mul3A_213 = arith.muli %scan3A_147, %mul3A_212 : i32
          %mul3A_214 = arith.constant 2 : i32
          %mul3A_215 = arith.muli %select_n3A_193, %mul3A_214 : i32
          %add3A_216 = arith.addi %mul3A_213, %mul3A_215 : i32
          %get3A_217 = arith.index_cast %add3A_216 : i32 to index
          %get3A_218 = arith.index_cast %mul3A_211 : i32 to index
          %get3A_219 = tpu.vector_load %arg8[%get3A_217, %get3A_218] {strides = array<i32>} : memref<48x128xf32, #tpu.memory_space<vmem>>, vector<16xf32>,
          %mul3A_220 = arith.constant 6 : i32
          %mul3A_221 = arith.muli %scan3A_147, %mul3A_220 : i32
          %mul3A_222 = arith.constant 2 : i32
          %mul3A_223 = arith.muli %select_n3A_193, %mul3A_222 : i32
          %add3A_224 = arith.addi %mul3A_221, %mul3A_223 : i32
          %add3A_225 = arith.constant 1 : i32
          %add3A_226 = arith.addi %add3A_224, %add3A_225 : i32
          %get3A_227 = arith.index_cast %add3A_226 : i32 to index
          %get3A_228 = arith.index_cast %mul3A_211 : i32 to index
          %get3A_229 = tpu.vector_load %arg8[%get3A_227, %get3A_228] {strides = array<i32>} : memref<48x128xf32, #tpu.memory_space<vmem>>, vector<16xf32>,
          %sub3A_230 = arith.subf %get3A_229, %get3A_219 : vector<16xf32>
          %ge3A = arith.constant -0.847297907 : f32
          %ge3A_231 = vector.broadcast %ge3A : f32 to vector<16xf32>
          %ge3A_232 = arith.cmpf oge, %sub3A_230, %ge3A_231 : vector<16xf32>
          %jit3A_233 = arith.constant 1.000000e+00 : f32
          %jit3A_234 = arith.constant 0.000000e+00 : f32
          %broadcast_in_dim3A = vector.broadcast %jit3A_233 : f32 to vector<16xf32>
          %broadcast_in_dim3A_235 = vector.broadcast %jit3A_234 : f32 to vector<16xf32>
          %select_n3A_236 = arith.select %ge3A_232, %broadcast_in_dim3A, %broadcast_in_dim3A_235 : vector<16xi1>, vector<16xf32>
          %mul3A_237 = arith.mulf %get3A_164, %select_n3A_236 : vector<16xf32>
          %broadcast_in_dim3A_238 = arith.constant true
          %broadcast_in_dim3A_239 = vector.broadcast %broadcast_in_dim3A_238 : i1 to vector<16xi1>
          %masked_cumsum3A = tpu.scan <sum>, %mul3A_237 masked %broadcast_in_dim3A_239 : vector<16xf32>, vector<16xi1> -> vector<16xf32>
          %add3A_240 = vector.broadcast %scan3A_158 : f32 to vector<16xf32>
          %add3A_241 = arith.addf %masked_cumsum3A, %add3A_240 : vector<16xf32>
          %broadcast_in_dim3A_242 = arith.constant true
          %broadcast_in_dim3A_243 = vector.broadcast %broadcast_in_dim3A_242 : i1 to vector<16xi1>
          %masked_cumsum3A_244 = tpu.scan <sum>, %get3A_164 masked %broadcast_in_dim3A_243 : vector<16xf32>, vector<16xi1> -> vector<16xf32>
          %add3A_245 = vector.broadcast %scan3A_159 : f32 to vector<16xf32>
          %add3A_246 = arith.addf %masked_cumsum3A_244, %add3A_245 : vector<16xf32>
          %broadcast_in_dim3A_247 = arith.constant true
          %broadcast_in_dim3A_248 = vector.broadcast %broadcast_in_dim3A_247 : i1 to vector<16xi1>
          %masked_cumsum3A_249 = tpu.scan <sum>, %get3A_169 masked %broadcast_in_dim3A_248 : vector<16xf32>, vector<16xi1> -> vector<16xf32>
          %add3A_250 = vector.broadcast %scan3A_160 : f32 to vector<16xf32>
          %add3A_251 = arith.addf %masked_cumsum3A_249, %add3A_250 : vector<16xf32>
          %le3A = arith.constant 3.400000e+01 : f32
          %le3A_252 = vector.broadcast %le3A : f32 to vector<16xf32>
          %le3A_253 = arith.cmpf ole, %add3A_241, %le3A_252 : vector<16xf32>
          %jit3A_254 = arith.constant 0.000000e+00 : f32
          %broadcast_in_dim3A_255 = vector.broadcast %jit3A_254 : f32 to vector<16xf32>
          %select_n3A_256 = arith.select %le3A_253, %mul3A_237, %broadcast_in_dim3A_255 : vector<16xi1>, vector<16xf32>
          %le3A_257 = arith.constant 1.500000e+01 : f32
          %le3A_258 = vector.broadcast %le3A_257 : f32 to vector<16xf32>
          %le3A_259 = arith.cmpf ole, %add3A_246, %le3A_258 : vector<16xf32>
          %jit3A_260 = arith.constant 0.000000e+00 : f32
          %broadcast_in_dim3A_261 = vector.broadcast %jit3A_260 : f32 to vector<16xf32>
          %select_n3A_262 = arith.select %le3A_259, %get3A_164, %broadcast_in_dim3A_261 : vector<16xi1>, vector<16xf32>
          %le3A_263 = arith.constant 1.800000e+01 : f32
          %le3A_264 = vector.broadcast %le3A_263 : f32 to vector<16xf32>
          %le3A_265 = arith.cmpf ole, %add3A_251, %le3A_264 : vector<16xf32>
          %jit3A_266 = arith.constant 0.000000e+00 : f32
          %broadcast_in_dim3A_267 = vector.broadcast %jit3A_266 : f32 to vector<16xf32>
          %select_n3A_268 = arith.select %le3A_265, %get3A_169, %broadcast_in_dim3A_267 : vector<16xi1>, vector<16xf32>
          %add3A_269 = arith.addf %select_n3A_256, %select_n3A_262 : vector<16xf32>
          %ge3A_270 = arith.constant 1.000000e+00 : f32
          %ge3A_271 = vector.broadcast %ge3A_270 : f32 to vector<16xf32>
          %ge3A_272 = arith.cmpf oge, %add3A_269, %ge3A_271 : vector<16xf32>
          %jit3A_273 = arith.constant 0.000000e+00 : f32
          %jit3A_274 = arith.constant -1.000000e+00 : f32
          %broadcast_in_dim3A_275 = vector.broadcast %jit3A_273 : f32 to vector<16xf32>
          %broadcast_in_dim3A_276 = vector.broadcast %jit3A_274 : f32 to vector<16xf32>
          %select_n3A_277 = arith.select %ge3A_272, %broadcast_in_dim3A_275, %broadcast_in_dim3A_276 : vector<16xi1>, vector<16xf32>
          %mul3A_278 = arith.constant 2.000000e+00 : f32
          %mul3A_279 = vector.broadcast %mul3A_278 : f32 to vector<16xf32>
          %mul3A_280 = arith.mulf %mul3A_279, %select_n3A_268 : vector<16xf32>
          %add3A_281 = arith.addf %select_n3A_277, %mul3A_280 : vector<16xf32>
          %mul3A_282 = arith.constant 16 : i32
          %mul3A_283 = arith.muli %scan3A_157, %mul3A_282 : i32
          %swap3A = arith.index_cast %scan3A_147 : i32 to index
          %swap3A_284 = arith.index_cast %mul3A_283 : i32 to index
          %swap3A_285 = tpu.vector_load %arg9[%swap3A, %swap3A_284] {strides = array<i32>} : memref<8x384xf32, #tpu.memory_space<vmem>>, vector<16xf32>,
          tpu.vector_store %arg9[%swap3A, %swap3A_284], %add3A_281 {strides = array<i32>} : memref<8x384xf32, #tpu.memory_space<vmem>>, vector<16xf32>,
          %reduce_max3A = arith.constant true
          %reduce_max3A_286 = vector.broadcast %reduce_max3A : i1 to vector<16xi1>
          %reduce_max3A_287 = tpu.scan <max>, %add3A_241 masked %reduce_max3A_286 : vector<16xf32>, vector<16xi1> -> vector<16xf32>
          %reduce_max3A_288 = vector.extract %reduce_max3A_287[15] : f32 from vector<16xf32>
          %reduce_max3A_289 = arith.constant true
          %reduce_max3A_290 = vector.broadcast %reduce_max3A_289 : i1 to vector<16xi1>
          %reduce_max3A_291 = tpu.scan <max>, %add3A_246 masked %reduce_max3A_290 : vector<16xf32>, vector<16xi1> -> vector<16xf32>
          %reduce_max3A_292 = vector.extract %reduce_max3A_291[15] : f32 from vector<16xf32>
          %reduce_max3A_293 = arith.constant true
          %reduce_max3A_294 = vector.broadcast %reduce_max3A_293 : i1 to vector<16xi1>
          %reduce_max3A_295 = tpu.scan <max>, %add3A_251 masked %reduce_max3A_294 : vector<16xf32>, vector<16xi1> -> vector<16xf32>
          %reduce_max3A_296 = vector.extract %reduce_max3A_295[15] : f32 from vector<16xf32>
          scf.yield %reduce_max3A_288, %reduce_max3A_292, %reduce_max3A_296 : f32, f32, f32
        }
        %scan3A_156 = arith.constant 24 : i32
        scf.yield %scan3A_155#0, %scan3A_155#1, %scan3A_155#2 : f32, f32, f32
      }
      %scan3A_132 = arith.constant 8 : i32
      %dma_start3A_133 = arith.constant 0 : i32
      %dma_start3A_134 = tpu.memref_slice %arg5[%add3A, %mul3A_88, %dma_start3A_133] : memref<16x384x384xf32, #tpu.memory_space<hbm>> -> memref<1x8x384xf32, #tpu.memory_space<hbm>>
      %dma_start3A_135 = tpu.memref_squeeze %dma_start3A_134 : memref<1x8x384xf32, #tpu.memory_space<hbm>> -> memref<8x384xf32, #tpu.memory_space<hbm>>
      %dma_start3A_136 = arith.constant 0 : i32
      %dma_start3A_137 = tpu.memref_slice %arg5[%add3A, %mul3A_88, %dma_start3A_136] : memref<16x384x384xf32, #tpu.memory_space<hbm>> -> memref<1x8x384xf32, #tpu.memory_space<hbm>>
      %dma_start3A_138 = tpu.memref_squeeze %dma_start3A_137 : memref<1x8x384xf32, #tpu.memory_space<hbm>> -> memref<8x384xf32, #tpu.memory_space<hbm>>
      tpu.enqueue_dma source(%arg9 : memref<8x384xf32, #tpu.memory_space<vmem>>) target(%dma_start3A_138 : memref<8x384xf32, #tpu.memory_space<hbm>>) target_semaphore(%arg11 : memref<!tpu.dma_semaphore, #tpu.memory_space<semaphore_mem>>)
      %dma_wait3A_139 = arith.constant 0 : i32
      %dma_wait3A_140 = tpu.memref_slice %arg5[%add3A, %mul3A_88, %dma_wait3A_139] : memref<16x384x384xf32, #tpu.memory_space<hbm>> -> memref<1x8x384xf32, #tpu.memory_space<hbm>>
      %dma_wait3A_141 = tpu.memref_squeeze %dma_wait3A_140 : memref<1x8x384xf32, #tpu.memory_space<hbm>> -> memref<8x384xf32, #tpu.memory_space<hbm>>
      %dma_wait3A_142 = arith.constant 0 : i32
      %dma_wait3A_143 = tpu.memref_slice %arg5[%add3A, %mul3A_88, %dma_wait3A_142] : memref<16x384x384xf32, #tpu.memory_space<hbm>> -> memref<1x8x384xf32, #tpu.memory_space<hbm>>
      %dma_wait3A_144 = tpu.memref_squeeze %dma_wait3A_143 : memref<1x8x384xf32, #tpu.memory_space<hbm>> -> memref<8x384xf32, #tpu.memory_space<hbm>>
      tpu.wait_dma2 semaphore(%arg11 : memref<!tpu.dma_semaphore, #tpu.memory_space<semaphore_mem>>) src(%arg9 : memref<8x384xf32, #tpu.memory_space<vmem>>) dst(%dma_wait3A_144 : memref<8x384xf32, #tpu.memory_space<hbm>>)
      %add3A_145 = arith.constant 1 : i32
      %add3A_146 = arith.addi %while3A_83, %add3A_145 : i32
      scf.yield %add3A_146, %scan3A_131#0, %scan3A_131#1, %scan3A_131#2 : i32, f32, f32, f32
    }
    %barrier3A = arith.constant 0 : index
    tpu.barrier barrier_id(%barrier3A)
    %jit3A_78 = arith.constant 48 : i32
    %jit3A_79 = arith.constant 0 : i32
    %select_n3A_80 = arith.select %eq3A_32, %jit3A_78, %jit3A_79 : i32
    %while3A_81 = arith.constant 24 : i32
    %while3A_82:4 = scf.while (%while3A_83 = %while3A_81, %while3A_84 = %while3A_77#1, %while3A_85 = %while3A_77#2, %while3A_86 = %while3A_77#3) : (i32, f32, f32, f32) -> (i32, f32, f32, f32) {
      %ge3A = arith.constant 3.400000e+01 : f32
      %ge3A_87 = arith.cmpf oge, %while3A_84, %ge3A : f32
      %ge3A_88 = arith.constant 1.500000e+01 : f32
      %ge3A_89 = arith.cmpf oge, %while3A_85, %ge3A_88 : f32
      %and3A_90 = arith.andi %ge3A_87, %ge3A_89 : i1
      %ge3A_91 = arith.constant 1.800000e+01 : f32
      %ge3A_92 = arith.cmpf oge, %while3A_86, %ge3A_91 : f32
      %and3A_93 = arith.andi %and3A_90, %ge3A_92 : i1
      %lt3A_94 = arith.cmpi slt, %while3A_83, %select_n3A_80 : i32
      %not3A = arith.constant true
      %not3A_95 = arith.xori %and3A_93, %not3A : i1
      %and3A_96 = arith.andi %lt3A_94, %not3A_95 : i1
      scf.condition(%and3A_96) %while3A_83, %while3A_84, %while3A_85, %while3A_86 : i32, f32, f32, f32
    } do {
    ^bb0(%while3A_83: i32, %while3A_84: f32, %while3A_85: f32, %while3A_86: f32):
      %mul3A_87 = arith.constant 8 : i32
      %mul3A_88 = arith.muli %while3A_83, %mul3A_87 : i32
      %mul3A_89 = arith.constant 6 : i32
      %mul3A_90 = arith.muli %mul3A_88, %mul3A_89 : i32
      %dma_start3A_91 = arith.constant 0 : i32
      %dma_start3A_92 = tpu.memref_slice %arg2[%add3A, %mul3A_88, %dma_start3A_91] : memref<16x384x384xf32, #tpu.memory_space<hbm>> -> memref<1x8x384xf32, #tpu.memory_space<hbm>>
      %dma_start3A_93 = tpu.memref_squeeze %dma_start3A_92 : memref<1x8x384xf32, #tpu.memory_space<hbm>> -> memref<8x384xf32, #tpu.memory_space<hbm>>
      %dma_start3A_94 = arith.constant 0 : i32
      %dma_start3A_95 = tpu.memref_slice %arg2[%add3A, %mul3A_88, %dma_start3A_94] : memref<16x384x384xf32, #tpu.memory_space<hbm>> -> memref<1x8x384xf32, #tpu.memory_space<hbm>>
      %dma_start3A_96 = tpu.memref_squeeze %dma_start3A_95 : memref<1x8x384xf32, #tpu.memory_space<hbm>> -> memref<8x384xf32, #tpu.memory_space<hbm>>
      tpu.enqueue_dma source(%dma_start3A_96 : memref<8x384xf32, #tpu.memory_space<hbm>>) target(%arg6 : memref<8x384xf32, #tpu.memory_space<vmem>>) target_semaphore(%arg11 : memref<!tpu.dma_semaphore, #tpu.memory_space<semaphore_mem>>)
      %dma_start3A_97 = arith.constant 0 : i32
      %dma_start3A_98 = tpu.memref_slice %arg3[%add3A, %mul3A_88, %dma_start3A_97] : memref<16x384x384xf32, #tpu.memory_space<hbm>> -> memref<1x8x384xf32, #tpu.memory_space<hbm>>
      %dma_start3A_99 = tpu.memref_squeeze %dma_start3A_98 : memref<1x8x384xf32, #tpu.memory_space<hbm>> -> memref<8x384xf32, #tpu.memory_space<hbm>>
      %dma_start3A_100 = arith.constant 0 : i32
      %dma_start3A_101 = tpu.memref_slice %arg3[%add3A, %mul3A_88, %dma_start3A_100] : memref<16x384x384xf32, #tpu.memory_space<hbm>> -> memref<1x8x384xf32, #tpu.memory_space<hbm>>
      %dma_start3A_102 = tpu.memref_squeeze %dma_start3A_101 : memref<1x8x384xf32, #tpu.memory_space<hbm>> -> memref<8x384xf32, #tpu.memory_space<hbm>>
      tpu.enqueue_dma source(%dma_start3A_102 : memref<8x384xf32, #tpu.memory_space<hbm>>) target(%arg7 : memref<8x384xf32, #tpu.memory_space<vmem>>) target_semaphore(%arg11 : memref<!tpu.dma_semaphore, #tpu.memory_space<semaphore_mem>>)
      %dma_start3A_103 = arith.constant 0 : i32
      %dma_start3A_104 = tpu.memref_slice %arg4[%add3A, %mul3A_90, %dma_start3A_103] : memref<16x2304x128xf32, #tpu.memory_space<hbm>> -> memref<1x48x128xf32, #tpu.memory_space<hbm>>
      %dma_start3A_105 = tpu.memref_squeeze %dma_start3A_104 : memref<1x48x128xf32, #tpu.memory_space<hbm>> -> memref<48x128xf32, #tpu.memory_space<hbm>>
      %dma_start3A_106 = arith.constant 0 : i32
      %dma_start3A_107 = tpu.memref_slice %arg4[%add3A, %mul3A_90, %dma_start3A_106] : memref<16x2304x128xf32, #tpu.memory_space<hbm>> -> memref<1x48x128xf32, #tpu.memory_space<hbm>>
      %dma_start3A_108 = tpu.memref_squeeze %dma_start3A_107 : memref<1x48x128xf32, #tpu.memory_space<hbm>> -> memref<48x128xf32, #tpu.memory_space<hbm>>
      tpu.enqueue_dma source(%dma_start3A_108 : memref<48x128xf32, #tpu.memory_space<hbm>>) target(%arg8 : memref<48x128xf32, #tpu.memory_space<vmem>>) target_semaphore(%arg11 : memref<!tpu.dma_semaphore, #tpu.memory_space<semaphore_mem>>)
      %dma_wait3A_109 = arith.constant 0 : i32
      %dma_wait3A_110 = tpu.memref_slice %arg2[%add3A, %mul3A_88, %dma_wait3A_109] : memref<16x384x384xf32, #tpu.memory_space<hbm>> -> memref<1x8x384xf32, #tpu.memory_space<hbm>>
      %dma_wait3A_111 = tpu.memref_squeeze %dma_wait3A_110 : memref<1x8x384xf32, #tpu.memory_space<hbm>> -> memref<8x384xf32, #tpu.memory_space<hbm>>
      %dma_wait3A_112 = arith.constant 0 : i32
      %dma_wait3A_113 = tpu.memref_slice %arg2[%add3A, %mul3A_88, %dma_wait3A_112] : memref<16x384x384xf32, #tpu.memory_space<hbm>> -> memref<1x8x384xf32, #tpu.memory_space<hbm>>
      %dma_wait3A_114 = tpu.memref_squeeze %dma_wait3A_113 : memref<1x8x384xf32, #tpu.memory_space<hbm>> -> memref<8x384xf32, #tpu.memory_space<hbm>>
      tpu.wait_dma2 semaphore(%arg11 : memref<!tpu.dma_semaphore, #tpu.memory_space<semaphore_mem>>) src(%dma_wait3A_114 : memref<8x384xf32, #tpu.memory_space<hbm>>) dst(%arg6 : memref<8x384xf32, #tpu.memory_space<vmem>>)
      %dma_wait3A_115 = arith.constant 0 : i32
      %dma_wait3A_116 = tpu.memref_slice %arg3[%add3A, %mul3A_88, %dma_wait3A_115] : memref<16x384x384xf32, #tpu.memory_space<hbm>> -> memref<1x8x384xf32, #tpu.memory_space<hbm>>
      %dma_wait3A_117 = tpu.memref_squeeze %dma_wait3A_116 : memref<1x8x384xf32, #tpu.memory_space<hbm>> -> memref<8x384xf32, #tpu.memory_space<hbm>>
      %dma_wait3A_118 = arith.constant 0 : i32
      %dma_wait3A_119 = tpu.memref_slice %arg3[%add3A, %mul3A_88, %dma_wait3A_118] : memref<16x384x384xf32, #tpu.memory_space<hbm>> -> memref<1x8x384xf32, #tpu.memory_space<hbm>>
      %dma_wait3A_120 = tpu.memref_squeeze %dma_wait3A_119 : memref<1x8x384xf32, #tpu.memory_space<hbm>> -> memref<8x384xf32, #tpu.memory_space<hbm>>
      tpu.wait_dma2 semaphore(%arg11 : memref<!tpu.dma_semaphore, #tpu.memory_space<semaphore_mem>>) src(%dma_wait3A_120 : memref<8x384xf32, #tpu.memory_space<hbm>>) dst(%arg7 : memref<8x384xf32, #tpu.memory_space<vmem>>)
      %dma_wait3A_121 = arith.constant 0 : i32
      %dma_wait3A_122 = tpu.memref_slice %arg4[%add3A, %mul3A_90, %dma_wait3A_121] : memref<16x2304x128xf32, #tpu.memory_space<hbm>> -> memref<1x48x128xf32, #tpu.memory_space<hbm>>
      %dma_wait3A_123 = tpu.memref_squeeze %dma_wait3A_122 : memref<1x48x128xf32, #tpu.memory_space<hbm>> -> memref<48x128xf32, #tpu.memory_space<hbm>>
      %dma_wait3A_124 = arith.constant 0 : i32
      %dma_wait3A_125 = tpu.memref_slice %arg4[%add3A, %mul3A_90, %dma_wait3A_124] : memref<16x2304x128xf32, #tpu.memory_space<hbm>> -> memref<1x48x128xf32, #tpu.memory_space<hbm>>
      %dma_wait3A_126 = tpu.memref_squeeze %dma_wait3A_125 : memref<1x48x128xf32, #tpu.memory_space<hbm>> -> memref<48x128xf32, #tpu.memory_space<hbm>>
      tpu.wait_dma2 semaphore(%arg11 : memref<!tpu.dma_semaphore, #tpu.memory_space<semaphore_mem>>) src(%dma_wait3A_126 : memref<48x128xf32, #tpu.memory_space<hbm>>) dst(%arg8 : memref<48x128xf32, #tpu.memory_space<vmem>>)
      %scan3A_127 = arith.constant 0 : i32
      %scan3A_128 = arith.constant 8 : i32
      %scan3A_129 = arith.addi %scan3A_127, %scan3A_128 : i32
      %scan3A_130 = arith.constant 1 : i32
      %scan3A_131:3 = scf.for %scan3A_147 = %scan3A_127 to %scan3A_129 step %scan3A_130 iter_args(%scan3A_148 = %while3A_84, %scan3A_149 = %while3A_85, %scan3A_150 = %while3A_86) -> (f32, f32, f32)  : i32 {
        %scan3A_151 = arith.constant 0 : i32
        %scan3A_152 = arith.constant 24 : i32
        %scan3A_153 = arith.addi %scan3A_151, %scan3A_152 : i32
        %scan3A_154 = arith.constant 1 : i32
        %scan3A_155:3 = scf.for %scan3A_157 = %scan3A_151 to %scan3A_153 step %scan3A_154 iter_args(%scan3A_158 = %scan3A_148, %scan3A_159 = %scan3A_149, %scan3A_160 = %scan3A_150) -> (f32, f32, f32)  : i32 {
          %mul3A_161 = arith.constant 16 : i32
          %mul3A_162 = arith.muli %scan3A_157, %mul3A_161 : i32
          %get3A = arith.index_cast %scan3A_147 : i32 to index
          %get3A_163 = arith.index_cast %mul3A_162 : i32 to index
          %get3A_164 = tpu.vector_load %arg6[%get3A, %get3A_163] {strides = array<i32>} : memref<8x384xf32, #tpu.memory_space<vmem>>, vector<16xf32>,
          %mul3A_165 = arith.constant 16 : i32
          %mul3A_166 = arith.muli %scan3A_157, %mul3A_165 : i32
          %get3A_167 = arith.index_cast %scan3A_147 : i32 to index
          %get3A_168 = arith.index_cast %mul3A_166 : i32 to index
          %get3A_169 = tpu.vector_load %arg7[%get3A_167, %get3A_168] {strides = array<i32>} : memref<8x384xf32, #tpu.memory_space<vmem>>, vector<16xf32>,
          %jit3A_170 = arith.constant 8 : i32
          %div3A_171 = arith.divsi %scan3A_157, %jit3A_170 : i32
          %sign3A_172 = arith.constant 0 : i32
          %sign3A_173 = arith.cmpi sgt, %scan3A_157, %sign3A_172 : i32
          %sign3A_174 = arith.extui %sign3A_173 : i1 to i32
          %sign3A_175 = arith.constant 0 : i32
          %sign3A_176 = arith.cmpi slt, %scan3A_157, %sign3A_175 : i32
          %sign3A_177 = arith.extui %sign3A_176 : i1 to i32
          %sign3A_178 = arith.subi %sign3A_174, %sign3A_177 : i32
          %sign3A_179 = arith.constant 0 : i32
          %sign3A_180 = arith.cmpi sgt, %jit3A_170, %sign3A_179 : i32
          %sign3A_181 = arith.extui %sign3A_180 : i1 to i32
          %sign3A_182 = arith.constant 0 : i32
          %sign3A_183 = arith.cmpi slt, %jit3A_170, %sign3A_182 : i32
          %sign3A_184 = arith.extui %sign3A_183 : i1 to i32
          %sign3A_185 = arith.subi %sign3A_181, %sign3A_184 : i32
          %ne3A_186 = arith.cmpi ne, %sign3A_178, %sign3A_185 : i32
          %rem3A_187 = arith.remsi %scan3A_157, %jit3A_170 : i32
          %ne3A_188 = arith.constant 0 : i32
          %ne3A_189 = arith.cmpi ne, %rem3A_187, %ne3A_188 : i32
          %and3A_190 = arith.andi %ne3A_186, %ne3A_189 : i1
          %sub3A_191 = arith.constant 1 : i32
          %sub3A_192 = arith.subi %div3A_171, %sub3A_191 : i32
          %select_n3A_193 = arith.select %and3A_190, %sub3A_192, %div3A_171 : i32
          %jit3A_194 = arith.constant 8 : i32
          %eq3A_195 = arith.constant 0 : i32
          %eq3A_196 = arith.cmpi eq, %jit3A_194, %eq3A_195 : i32
          %jit3A_197 = arith.constant 1 : i32
          %select_n3A_198 = arith.select %eq3A_196, %jit3A_197, %jit3A_194 : i32
          %rem3A_199 = arith.remsi %scan3A_157, %select_n3A_198 : i32
          %ne3A_200 = arith.constant 0 : i32
          %ne3A_201 = arith.cmpi ne, %rem3A_199, %ne3A_200 : i32
          %lt3A_202 = arith.constant 0 : i32
          %lt3A_203 = arith.cmpi slt, %rem3A_199, %lt3A_202 : i32
          %lt3A_204 = arith.constant 0 : i32
          %lt3A_205 = arith.cmpi slt, %select_n3A_198, %lt3A_204 : i32
          %ne3A_206 = arith.xori %lt3A_203, %lt3A_205 : i1
          %and3A_207 = arith.andi %ne3A_206, %ne3A_201 : i1
          %add3A_208 = arith.addi %rem3A_199, %select_n3A_198 : i32
          %select_n3A_209 = arith.select %and3A_207, %add3A_208, %rem3A_199 : i32
          %mul3A_210 = arith.constant 16 : i32
          %mul3A_211 = arith.muli %select_n3A_209, %mul3A_210 : i32
          %mul3A_212 = arith.constant 6 : i32
          %mul3A_213 = arith.muli %scan3A_147, %mul3A_212 : i32
          %mul3A_214 = arith.constant 2 : i32
          %mul3A_215 = arith.muli %select_n3A_193, %mul3A_214 : i32
          %add3A_216 = arith.addi %mul3A_213, %mul3A_215 : i32
          %get3A_217 = arith.index_cast %add3A_216 : i32 to index
          %get3A_218 = arith.index_cast %mul3A_211 : i32 to index
          %get3A_219 = tpu.vector_load %arg8[%get3A_217, %get3A_218] {strides = array<i32>} : memref<48x128xf32, #tpu.memory_space<vmem>>, vector<16xf32>,
          %mul3A_220 = arith.constant 6 : i32
          %mul3A_221 = arith.muli %scan3A_147, %mul3A_220 : i32
          %mul3A_222 = arith.constant 2 : i32
          %mul3A_223 = arith.muli %select_n3A_193, %mul3A_222 : i32
          %add3A_224 = arith.addi %mul3A_221, %mul3A_223 : i32
          %add3A_225 = arith.constant 1 : i32
          %add3A_226 = arith.addi %add3A_224, %add3A_225 : i32
          %get3A_227 = arith.index_cast %add3A_226 : i32 to index
          %get3A_228 = arith.index_cast %mul3A_211 : i32 to index
          %get3A_229 = tpu.vector_load %arg8[%get3A_227, %get3A_228] {strides = array<i32>} : memref<48x128xf32, #tpu.memory_space<vmem>>, vector<16xf32>,
          %sub3A_230 = arith.subf %get3A_229, %get3A_219 : vector<16xf32>
          %ge3A = arith.constant -0.847297907 : f32
          %ge3A_231 = vector.broadcast %ge3A : f32 to vector<16xf32>
          %ge3A_232 = arith.cmpf oge, %sub3A_230, %ge3A_231 : vector<16xf32>
          %jit3A_233 = arith.constant 1.000000e+00 : f32
          %jit3A_234 = arith.constant 0.000000e+00 : f32
          %broadcast_in_dim3A = vector.broadcast %jit3A_233 : f32 to vector<16xf32>
          %broadcast_in_dim3A_235 = vector.broadcast %jit3A_234 : f32 to vector<16xf32>
          %select_n3A_236 = arith.select %ge3A_232, %broadcast_in_dim3A, %broadcast_in_dim3A_235 : vector<16xi1>, vector<16xf32>
          %mul3A_237 = arith.mulf %get3A_164, %select_n3A_236 : vector<16xf32>
          %broadcast_in_dim3A_238 = arith.constant true
          %broadcast_in_dim3A_239 = vector.broadcast %broadcast_in_dim3A_238 : i1 to vector<16xi1>
          %masked_cumsum3A = tpu.scan <sum>, %mul3A_237 masked %broadcast_in_dim3A_239 : vector<16xf32>, vector<16xi1> -> vector<16xf32>
          %add3A_240 = vector.broadcast %scan3A_158 : f32 to vector<16xf32>
          %add3A_241 = arith.addf %masked_cumsum3A, %add3A_240 : vector<16xf32>
          %broadcast_in_dim3A_242 = arith.constant true
          %broadcast_in_dim3A_243 = vector.broadcast %broadcast_in_dim3A_242 : i1 to vector<16xi1>
          %masked_cumsum3A_244 = tpu.scan <sum>, %get3A_164 masked %broadcast_in_dim3A_243 : vector<16xf32>, vector<16xi1> -> vector<16xf32>
          %add3A_245 = vector.broadcast %scan3A_159 : f32 to vector<16xf32>
          %add3A_246 = arith.addf %masked_cumsum3A_244, %add3A_245 : vector<16xf32>
          %broadcast_in_dim3A_247 = arith.constant true
          %broadcast_in_dim3A_248 = vector.broadcast %broadcast_in_dim3A_247 : i1 to vector<16xi1>
          %masked_cumsum3A_249 = tpu.scan <sum>, %get3A_169 masked %broadcast_in_dim3A_248 : vector<16xf32>, vector<16xi1> -> vector<16xf32>
          %add3A_250 = vector.broadcast %scan3A_160 : f32 to vector<16xf32>
          %add3A_251 = arith.addf %masked_cumsum3A_249, %add3A_250 : vector<16xf32>
          %le3A = arith.constant 3.400000e+01 : f32
          %le3A_252 = vector.broadcast %le3A : f32 to vector<16xf32>
          %le3A_253 = arith.cmpf ole, %add3A_241, %le3A_252 : vector<16xf32>
          %jit3A_254 = arith.constant 0.000000e+00 : f32
          %broadcast_in_dim3A_255 = vector.broadcast %jit3A_254 : f32 to vector<16xf32>
          %select_n3A_256 = arith.select %le3A_253, %mul3A_237, %broadcast_in_dim3A_255 : vector<16xi1>, vector<16xf32>
          %le3A_257 = arith.constant 1.500000e+01 : f32
          %le3A_258 = vector.broadcast %le3A_257 : f32 to vector<16xf32>
          %le3A_259 = arith.cmpf ole, %add3A_246, %le3A_258 : vector<16xf32>
          %jit3A_260 = arith.constant 0.000000e+00 : f32
          %broadcast_in_dim3A_261 = vector.broadcast %jit3A_260 : f32 to vector<16xf32>
          %select_n3A_262 = arith.select %le3A_259, %get3A_164, %broadcast_in_dim3A_261 : vector<16xi1>, vector<16xf32>
          %le3A_263 = arith.constant 1.800000e+01 : f32
          %le3A_264 = vector.broadcast %le3A_263 : f32 to vector<16xf32>
          %le3A_265 = arith.cmpf ole, %add3A_251, %le3A_264 : vector<16xf32>
          %jit3A_266 = arith.constant 0.000000e+00 : f32
          %broadcast_in_dim3A_267 = vector.broadcast %jit3A_266 : f32 to vector<16xf32>
          %select_n3A_268 = arith.select %le3A_265, %get3A_169, %broadcast_in_dim3A_267 : vector<16xi1>, vector<16xf32>
          %add3A_269 = arith.addf %select_n3A_256, %select_n3A_262 : vector<16xf32>
          %ge3A_270 = arith.constant 1.000000e+00 : f32
          %ge3A_271 = vector.broadcast %ge3A_270 : f32 to vector<16xf32>
          %ge3A_272 = arith.cmpf oge, %add3A_269, %ge3A_271 : vector<16xf32>
          %jit3A_273 = arith.constant 0.000000e+00 : f32
          %jit3A_274 = arith.constant -1.000000e+00 : f32
          %broadcast_in_dim3A_275 = vector.broadcast %jit3A_273 : f32 to vector<16xf32>
          %broadcast_in_dim3A_276 = vector.broadcast %jit3A_274 : f32 to vector<16xf32>
          %select_n3A_277 = arith.select %ge3A_272, %broadcast_in_dim3A_275, %broadcast_in_dim3A_276 : vector<16xi1>, vector<16xf32>
          %mul3A_278 = arith.constant 2.000000e+00 : f32
          %mul3A_279 = vector.broadcast %mul3A_278 : f32 to vector<16xf32>
          %mul3A_280 = arith.mulf %mul3A_279, %select_n3A_268 : vector<16xf32>
          %add3A_281 = arith.addf %select_n3A_277, %mul3A_280 : vector<16xf32>
          %mul3A_282 = arith.constant 16 : i32
          %mul3A_283 = arith.muli %scan3A_157, %mul3A_282 : i32
          %swap3A = arith.index_cast %scan3A_147 : i32 to index
          %swap3A_284 = arith.index_cast %mul3A_283 : i32 to index
          %swap3A_285 = tpu.vector_load %arg9[%swap3A, %swap3A_284] {strides = array<i32>} : memref<8x384xf32, #tpu.memory_space<vmem>>, vector<16xf32>,
          tpu.vector_store %arg9[%swap3A, %swap3A_284], %add3A_281 {strides = array<i32>} : memref<8x384xf32, #tpu.memory_space<vmem>>, vector<16xf32>,
          %reduce_max3A = arith.constant true
          %reduce_max3A_286 = vector.broadcast %reduce_max3A : i1 to vector<16xi1>
          %reduce_max3A_287 = tpu.scan <max>, %add3A_241 masked %reduce_max3A_286 : vector<16xf32>, vector<16xi1> -> vector<16xf32>
          %reduce_max3A_288 = vector.extract %reduce_max3A_287[15] : f32 from vector<16xf32>
          %reduce_max3A_289 = arith.constant true
          %reduce_max3A_290 = vector.broadcast %reduce_max3A_289 : i1 to vector<16xi1>
          %reduce_max3A_291 = tpu.scan <max>, %add3A_246 masked %reduce_max3A_290 : vector<16xf32>, vector<16xi1> -> vector<16xf32>
          %reduce_max3A_292 = vector.extract %reduce_max3A_291[15] : f32 from vector<16xf32>
          %reduce_max3A_293 = arith.constant true
          %reduce_max3A_294 = vector.broadcast %reduce_max3A_293 : i1 to vector<16xi1>
          %reduce_max3A_295 = tpu.scan <max>, %add3A_251 masked %reduce_max3A_294 : vector<16xf32>, vector<16xi1> -> vector<16xf32>
          %reduce_max3A_296 = vector.extract %reduce_max3A_295[15] : f32 from vector<16xf32>
          scf.yield %reduce_max3A_288, %reduce_max3A_292, %reduce_max3A_296 : f32, f32, f32
        }
        %scan3A_156 = arith.constant 24 : i32
        scf.yield %scan3A_155#0, %scan3A_155#1, %scan3A_155#2 : f32, f32, f32
      }
      %scan3A_132 = arith.constant 8 : i32
      %dma_start3A_133 = arith.constant 0 : i32
      %dma_start3A_134 = tpu.memref_slice %arg5[%add3A, %mul3A_88, %dma_start3A_133] : memref<16x384x384xf32, #tpu.memory_space<hbm>> -> memref<1x8x384xf32, #tpu.memory_space<hbm>>
      %dma_start3A_135 = tpu.memref_squeeze %dma_start3A_134 : memref<1x8x384xf32, #tpu.memory_space<hbm>> -> memref<8x384xf32, #tpu.memory_space<hbm>>
      %dma_start3A_136 = arith.constant 0 : i32
      %dma_start3A_137 = tpu.memref_slice %arg5[%add3A, %mul3A_88, %dma_start3A_136] : memref<16x384x384xf32, #tpu.memory_space<hbm>> -> memref<1x8x384xf32, #tpu.memory_space<hbm>>
      %dma_start3A_138 = tpu.memref_squeeze %dma_start3A_137 : memref<1x8x384xf32, #tpu.memory_space<hbm>> -> memref<8x384xf32, #tpu.memory_space<hbm>>
      tpu.enqueue_dma source(%arg9 : memref<8x384xf32, #tpu.memory_space<vmem>>) target(%dma_start3A_138 : memref<8x384xf32, #tpu.memory_space<hbm>>) target_semaphore(%arg11 : memref<!tpu.dma_semaphore, #tpu.memory_space<semaphore_mem>>)
      %dma_wait3A_139 = arith.constant 0 : i32
      %dma_wait3A_140 = tpu.memref_slice %arg5[%add3A, %mul3A_88, %dma_wait3A_139] : memref<16x384x384xf32, #tpu.memory_space<hbm>> -> memref<1x8x384xf32, #tpu.memory_space<hbm>>
      %dma_wait3A_141 = tpu.memref_squeeze %dma_wait3A_140 : memref<1x8x384xf32, #tpu.memory_space<hbm>> -> memref<8x384xf32, #tpu.memory_space<hbm>>
      %dma_wait3A_142 = arith.constant 0 : i32
      %dma_wait3A_143 = tpu.memref_slice %arg5[%add3A, %mul3A_88, %dma_wait3A_142] : memref<16x384x384xf32, #tpu.memory_space<hbm>> -> memref<1x8x384xf32, #tpu.memory_space<hbm>>
      %dma_wait3A_144 = tpu.memref_squeeze %dma_wait3A_143 : memref<1x8x384xf32, #tpu.memory_space<hbm>> -> memref<8x384xf32, #tpu.memory_space<hbm>>
      tpu.wait_dma2 semaphore(%arg11 : memref<!tpu.dma_semaphore, #tpu.memory_space<semaphore_mem>>) src(%arg9 : memref<8x384xf32, #tpu.memory_space<vmem>>) dst(%dma_wait3A_144 : memref<8x384xf32, #tpu.memory_space<hbm>>)
      %add3A_145 = arith.constant 1 : i32
      %add3A_146 = arith.addi %while3A_83, %add3A_145 : i32
      scf.yield %add3A_146, %scan3A_131#0, %scan3A_131#1, %scan3A_131#2 : i32, f32, f32, f32
    }
    return
  }
}

</mosaic_0001>

<sc_bundles>
// kernel: kernel.3.cloned.1.call-start
scs
__scs_entry_jumppad:
0x0: {  	(pc) =	sbr.rel $0x88, $3  }
0x1: {  	(tag) =	ssettag $0x0;
	lr =	simm.s32 $0x1  }
0x2: {  	[smem:$0x3F9E] =	sst lr;
	_ =	strace $0xD0000000  }
0x3: {  	_ = 	snop  }
0x4: {  	_ = 	snop  }
0x5: {  	_ = 	snop  }
0x6: {  	_ = 	snop  }
0x7: {  	_ = 	snop  }
__scs_overlays_trampoline_lowered:
0x8: {  	[smem:$0x3FAD] =	sst s0  }
0x9: {  	[smem:$0x3FAE] =	sst s1  }
0xa: {  	[smem:$0x3FAF] =	sst s2  }
0xb: {  	[smem:$0x3FB0] =	sst s3  }
0xc: {  	[smem:$0x3FB1] =	sst s4  }
0xd: {  	[smem:$0x3FB2] =	sst s5  }
0xe: {  	[smem:$0x3FB3] =	sst s6  }
0xf: {  	[smem:$0x3FB4] =	sst s7  }
0x10: {  	[smem:$0x3FB5] =	sst s8  }
0x11: {  	[smem:$0x3FB6] =	sst s9;
	s0 =	simm.s32 @!p0 $0x0  }
0x12: {  	s1 =	sld [smem:$0x3F9C];
	s0 =	simm.s32 @p0 $0x1  }
0x13: {  	[smem:$0x3FB7] =	sst s0;
	s0 =	simm.s32 @!p1 $0x0  }
0x14: {  	s2 =	sld [smem:$0x3F9B];
	s0 =	simm.s32 @p1 $0x1  }
0x15: {  	[smem:$0x3FB8] =	sst s0;
	s0 =	simm.s32 @!p2 $0x0  }
0x16: {  	s3 =	sld [smem:$0x3FDB];
	s0 =	simm.s32 @p2 $0x1  }
0x17: {  	s4 =	simm.s32 $0x1BF5;
	[smem:$0x3FBA] =	sst s0  }
0x18: {  	s0 =	sld [smem:$0x3F9D];
	_ =	swait.ge [sflag:s4], $0x0  }
0x19: {  	s7 =	sld [smem:$0x3F9E]  }
0x1a: {  	s8 =	sadd.s32 $0xFFFFE003, lr  }
0x1b: {  	s9 =	sadd.s32 $0xFFFFFEF7, lr;
	s5 =	simm.s32 $0xFFFFFFFF;
	p2 =	slt.u32 s8, $0xFFFFF086  }
0x1c: {  	p1 =	slt.u32 s9, $0xF7A;
	s5 =	simm.s32 @!p2 $0x0  }
0x1d: {  	s5 =	simm.s32 @p1 $0x1;
	p0 =	seq.s32 s7, s2  }
0x1e: {  	s7 =	smul.u32 @!p0 $0xF7A, s2;
	p2 =	seq.s32 @!p0 s5, $0x0  }
0x1f: {  	s9 =	smul.u32 $0xF7A, s1;
	s8 =	simm.s32 @!p0 $0x1BF5;
	p2 =	por !p2, p0  }
0x20: {  	[sflag:s8] =	ssyncset.s32 @!p0 $0xFFFFF086;
	s6 =	sadd.s32 @!p0 s3, s7;
	s7 =	simm.s32 @!p0 $0x108  }
0x21: {  	s3 =	sadd.s32 s3, s9;
	s6 =	sadd.s32 @!p0 $0x88, s6;
	s7 =	simm.s32 @p2 $0x1082  }
0x22: {  	[simem:s7], [sflag:s8] =	dma.local @!p0 [hbm:s6], $0xF7A  }
0x23: {  	s9 =	sor.u32 $0xD0000000, s2;
	s6 =	simm.s32 $0x108;
	_ =	swait.ge @!p0 [sflag:s8], $0x0  }
0x24: {  	s3 =	sadd.s32 $0x88, s3;
	s6 =	simm.s32 @!p1 $0x1082;
	[sflag:s4] =	ssyncset.s32 $0xFFFFF086  }
0x25: {  	[simem:s6], [sflag:s4] =	dma.local [hbm:s3], $0xF7A  }
0x26: {  	[smem:$0x3F9E] =	sst s1;
	(tag) =	ssettag s2;
	_ =	strace s9  }
0x27: {  	s1 =	sld [smem:$0x3FAE]  }
0x28: {  	s2 =	sld [smem:$0x3FAF]  }
0x29: {  	s4 =	sld [smem:$0x3FB1]  }
0x2a: {  	p0 =	seq.s32 s5, $0x0;
	s5 =	sld [smem:$0x3FB2]  }
0x2b: {  	s6 =	sld [smem:$0x3FB3]  }
0x2c: {  	s7 =	sld [smem:$0x3FB4]  }
0x2d: {  	s3 =	simm.s32 $0x108;
	s8 =	sld [smem:$0x3FB5]  }
0x2e: {  	s3 =	simm.s32 @!p0 $0x1082;
	s9 =	sld [smem:$0x3FB6]  }
0x2f: {  	lr =	sadd.s32 s0, s3;
	s0 =	sld [smem:$0x3FAD]  }
0x30: {  	s3 =	sld [smem:$0x3FB0]  }
0x31: {  	[smem:$0x3FB9] =	sst s10  }
0x32: {  	s10 =	sld [smem:$0x3FB7];
	_ =	sdelay $0x3  }
0x33: {  	p0 =	seq.s32 s10, $0x1;
	s10 =	sld [smem:$0x3FB9];
	_ =	sdelay $0x3  }
0x34: {  	[smem:$0x3FB9] =	sst s10  }
0x35: {  	s10 =	sld [smem:$0x3FB8];
	_ =	sdelay $0x3  }
0x36: {  	p1 =	seq.s32 s10, $0x1;
	s10 =	sld [smem:$0x3FB9];
	_ =	sdelay $0x3  }
0x37: {  	[smem:$0x3FB9] =	sst s10  }
0x38: {  	s10 =	sld [smem:$0x3FBA]  }
0x39: {  	_ = 	snop;
	(pc) =	sbr.ind lr, $3  }
0x3a: {  	_ = 	snop  }
0x3b: {  	_ = 	snop  }
0x3c: {  	p2 =	seq.s32 s10, $0x1;
	s10 =	sld [smem:$0x3FB9]  }
0x3d: {  	_ =	shalt  }
0x3e: {  	_ =	shalt  }
0x3f: {  	_ =	shalt  }
0x40: {  	_ =	shalt  }
0x41: {  	_ =	shalt  }
0x42: {  	_ =	shalt  }
0x43: {  	_ =	shalt  }
0x44: {  	_ =	shalt  }
0x45: {  	_ =	shalt  }
0x46: {  	_ =	shalt  }
0x47: {  	_ =	shalt  }
0x48: {  	_ =	shalt  }
0x49: {  	_ =	shalt  }
0x4a: {  	_ =	shalt  }
0x4b: {  	_ =	shalt  }
0x4c: {  	_ =	shalt  }
0x4d: {  	_ =	shalt  }
0x4e: {  	_ =	shalt  }
0x4f: {  	_ =	shalt  }
0x50: {  	_ =	shalt  }
0x51: {  	_ =	shalt  }
0x52: {  	_ =	shalt  }
0x53: {  	_ =	shalt  }
0x54: {  	_ =	shalt  }
0x55: {  	_ =	shalt  }
0x56: {  	_ =	shalt  }
0x57: {  	_ =	shalt  }
0x58: {  	_ =	shalt  }
0x59: {  	_ =	shalt  }
0x5a: {  	_ =	shalt  }
0x5b: {  	_ =	shalt  }
0x5c: {  	_ =	shalt  }
0x5d: {  	_ =	shalt  }
0x5e: {  	_ =	shalt  }
0x5f: {  	_ =	shalt  }
0x60: {  	_ =	shalt  }
0x61: {  	_ =	shalt  }
0x62: {  	_ =	shalt  }
0x63: {  	_ =	shalt  }
0x64: {  	_ =	shalt  }
0x65: {  	_ =	shalt  }
0x66: {  	_ =	shalt  }
0x67: {  	_ =	shalt  }
0x68: {  	_ =	shalt  }
0x69: {  	_ =	shalt  }
0x6a: {  	_ =	shalt  }
0x6b: {  	_ =	shalt  }
0x6c: {  	_ =	shalt  }
0x6d: {  	_ =	shalt  }
0x6e: {  	_ =	shalt  }
0x6f: {  	_ =	shalt  }
0x70: {  	_ =	shalt  }
0x71: {  	_ =	shalt  }
0x72: {  	_ =	shalt  }
0x73: {  	_ =	shalt  }
0x74: {  	_ =	shalt  }
0x75: {  	_ =	shalt  }
0x76: {  	_ =	shalt  }
0x77: {  	_ =	shalt  }
0x78: {  	_ =	shalt  }
0x79: {  	_ =	shalt  }
0x7a: {  	_ =	shalt  }
0x7b: {  	_ =	shalt  }
0x7c: {  	_ =	shalt  }
0x7d: {  	_ =	shalt  }
0x7e: {  	_ =	shalt  }
0x7f: {  	_ =	shalt  }
0x80: {  	_ =	shalt  }
0x81: {  	_ =	shalt  }
0x82: {  	_ =	shalt  }
0x83: {  	_ =	shalt  }
0x84: {  	_ =	shalt  }
0x85: {  	_ =	shalt  }
0x86: {  	_ =	shalt  }
0x87: {  	_ =	shalt  }
.Lfunc_end0:
.L_simem_size_0:
called_computation_lowered:
.L_overlay_start_0:
0x88: {  	s2 =	sld [smem:$0x3FD9]  }
0x89: {  	s3 =	sld [smem:$0x3FFE];
	_ =	sdelay $0x1  }
0x8a: {  	s1 =	srdreg.scid  }
0x8b: {  	s0 =	sand.u32 $0x1, s1  }
0x8c: {  	s17 =	sshll.u32 s0, $0xA;
	s2 =	sadd.s32 s3, s2  }
0x8d: {  	s2 =	sadd.s32 s2, s17  }
0x8e: {  	[smem:$0x3FC5] =	sst s2  }
0x8f: {  	_ = 	snop  }
0x90: {  	s2 =	sld [smem:$0x3FC9]  }
0x91: {  	s18 =	sld [smem:$0x3FC8]  }
0x92: {  	s4 =	sld [smem:$0x3FD0];
	(tm) =	ssettm $0x1  }
0x93: {  	s5 =	sld [smem:$0x3FFB];
	_ =	sdelay $0x3  }
0x94: {  	_ =	strace s5  }
0x95: {  	s5 =	sld [smem:$0x3FFC];
	_ =	sdelay $0x3  }
0x96: {  	_ =	strace s5  }
0x97: {  	s5 =	sld [smem:$0x3FFD];
	_ =	sdelay $0x3  }
0x98: {  	_ =	strace s5  }
0x99: {  	_ =	strace $0x8FFFFFFF  }
0x9a: {  	s19 =	sld [smem:$0x3FDB];
	_ =	sdelay $0x1  }
0x9b: {  	s6 =	simm.s32 $_scs_section_size  }
0x9c: {  	s7 =	simm.s32 $_size__tile_overlayer_lowered;
	s8 =	simm.s32 $_tile_overlayer_lowered  }
0x9d: {  	s22 =	simm.s32 $0x1BFF;
	s21 =	sshll.u32 s8, $0x1;
	s5 =	sadd.s32 s6, s19  }
0x9e: {  	s9 =	simm.s32 $0x0;
	s20 =	sshll.u32 s7, $0x1;
	s7 =	sadd.s32 s21, s5  }
0x9f: {  	[timem:s9], [sflag:s22] =	dma.local [hbm:s7], s20  }
0xa0: {  	_ =	swait.ge [sflag:s22], s20  }
0xa1: {  	s6 =	ssub.s32 $0x0, s20;
	[sflag:s22] =	ssyncset.done $0x0  }
0xa2: {  	[sflag:s22] =	ssyncadd.s32 s6;
	_ =	sdelay $0x1  }
0xa3: {  	s23 =	simm.s32 $0x1B8B  }
0xa4: {  	_ =	swait.ge [sflag:s23], $0x1  }
0xa5: {  	[sflag:s23] =	ssyncset.done $0x0  }
0xa6: {  	s25 =	simm.s32 $0x1B8E;
	s24 =	sld [smem:$0x3FFE];
	[sflag:s23] =	ssyncadd.s32 $0xFFFFFFFF  }
0xa7: {  	s26 =	simm.s32 $execute0_lowered;
	[smem:$0x3FD2] =	sst s25  }
0xa8: {  	s7 =	sshll.u32 s26, $0x1;
	_ =	strace $0x80000046;
	[dreg:$0x1] =	wrdreg $0xFFFFFFFF  }
0xa9: {  	s28 =	simm.s32 $_size_execute0_lowered;
	s5 =	sadd.s32 s5, s7;
	[dreg:$0x0] =	wrdreg $0x0  }
0xaa: {  	s7 =	sshll.u32 s28, $0x1;
	[dreg:$0x2] =	wrdreg s5  }
0xab: {  	[dreg:$0x3] =	wrdreg s7  }
0xac: {  	[dreg:$0x4] =	wrdreg $0xC0  }
0xad: {  	_ =	task [dreg:s9], $0x5FFFF  }
0xae: {  	[dreg:$0x1] =	wrdreg $0xFFFFFFFF  }
0xaf: {  	[dreg:$0x0] =	wrdreg $0x60  }
0xb0: {  	[dreg:$0x2] =	wrdreg s2  }
0xb1: {  	[dreg:$0x3] =	wrdreg s18  }
0xb2: {  	[dreg:$0x4] =	wrdreg s24  }
0xb3: {  	[dreg:$0x5] =	wrdreg s4  }
0xb4: {  	[dreg:$0x6] =	wrdreg $0x9  }
0xb5: {  	_ =	task.clear_ibuf [dreg:s9], $0x7FFFF;
	_ =	strace $0x90000046  }
0xb6: {  	s29 =	simm.s32 $0x9;
	_ =	strace $0x80000048  }
0xb7: {  	_ =	swait.ge [sflag:s29], $0x1  }
0xb8: {  	[sflag:s29] =	ssyncadd.s32 $0xFFFFFFFF  }
0xb9: {  	_ =	strace $0x90000048  }
0xba: {  	_ =	sfence  }
0xbb: {  	s30 =	sld [smem:$0x0];
	_ =	sdelay $0x2  }
0xbc: {  	s31 =	sshll.u32 s1, $0xD;
	s1 =	sshrl.u32 s1, $0x2  }
0xbd: {  	s3 =	sand.u32 $0x4000, s31;
	s1 =	sadd.s32 s1, s30  }
0xbe: {  	s0 =	sor.u32 s3, s0;
	s1 =	sshll.u32 s1, $0x11  }
0xbf: {  	s0 =	sor.u32 s1, s0  }
0xc0: {  	s0 =	sadd.s32 $0x8F2B, s0  }
0xc1: {  	[sflag:s0] =	ssyncadd.remote.s32 $0x1  }
0xc2: {  	_ =	sfence.sel $0xFFFF  }
0xc3: {  	[dreg:$0x0] =	wrdreg $0xFFFFFFFF;
	(pc) =	sbr.abs _section_cstart, $3  }
0xc4: {  	[dreg:$0x1] =	wrdreg $0xFFFFFFFF  }
0xc5: {  	_ =	task.clear_ibuf [dreg:s9], $0x2FFFF;
	_ =	strace $0x9FFFFFFF  }
0xc6: {  	(tm) =	ssettm $0x7FFFFFFF  }
0xc7: {  	_ =	shalt  }
tec
execute0_lowered:
.L_overlay_start_1:
0x0: {  	(tag) =	ssettag $0x1  }
0x1: {  	s1 =	rddreg [dreg:$0x0]  }
0x2: {  	s2 =	rddreg [dreg:$0x1]  }
0x3: {  	s7 =	rddreg [dreg:$0x2]  }
0x4: {  	s3 =	srdreg.scid;
	s0 =	stileid.u32  }
0x5: {  	s4 =	rddreg [dreg:$0x3];
	s14 =	simm.s32 $0xC00;
	s15 =	simm.s32 $0x1800  }
0x6: {  	s16 =	simm.s32 $0x1;
	s17 =	simm.s32 $0x3000;
	s18 =	simm.s32 $0x0  }
0x7: {  	s8 =	sand.u32 $0x1, s3;
	s12 =	sand.u32 $0x1, s0;
	s6 =	sshrl.u32 s0, $0x1  }
0x8: {  	s7 =	sadd.s32 $0x400, s7;
	s5 =	sshll.u32 s8, $0x3;
	s9 =	smul.u32 $0xC0, s12  }
0x9: {  	s11 =	smul.u32 $0x12000, s12;
	s8 =	ssub.s32 $0x2, s8;
	s10 =	sor.u32 s6, s5  }
0xa: {  	p0 =	sne.s32 s12, $0x0;
	s6 =	smul.u32 $0x24000, s10;
	s9 =	sshrl.u32 s9, $0x3  }
0xb: {  	s12 =	simm.s32 $0x3C00;
	s5 =	simm.s32 $0x0;
	s9 =	smul.u32 $0xC00, s9  }
.Ltmp0:
0xc: {  	s13 =	sshrl.u32 s8, $0x1;
	[smem:$0x7FF] =	sst s5;
	(pc) =	sbr.rel .LBB2_1-.Ltmp0, $4  }
0xd: {  	s13 =	ssub.s32 s8, s13;
	s10 =	smul.u32 $0x48000, s10;
	s9 =	sadd.s32 s6, s9  }
0xe: {  	_ =	strace $0x80000047;
	s11 =	sadd.s32 s11, s6;
	s9 =	sadd.s32 $0x9000, s9  }
0xf: {  	s31 =	sshrl.u32 s11, $0x3;
	s11 =	smax.u32 s13, $0x1;
	s9 =	sshrl.u32 s9, $0x3  }
0x10: {  	v0 =	vimm.f32 $-1.000000000e+00;
	v1 =	vimm.f32 $0.0e+00;
	s13 =	simm.s32 $0x2;
	s8 =	sadd.s32 s4, s31;
	s9 =	sadd.s32 s4, s9  }
.LBB2_18:
0x11: {  	s18 =	sadd.s32 $0x1, s18  }
0x12: {  	p1 =	sne.s32 s18, s11  }
.Ltmp1:
0x13: {  	_ = 	snop;
	(pc) =	sbr.rel @!p1 .LBB2_19-.Ltmp1, $1  }
0x14: {  	_ =	sdelay $0x3  }
.LBB2_1:
0x15: {  	s19 =	simm.s32 $0x0  }
.LBB2_2:
0x16: {  	s20 =	sshrl.u32 s19, $0x3  }
0x17: {  	s20 =	smul.u32 $0x3000, s20  }
0x18: {  	s21 =	sshll.u32 s19, $0x7  }
0x19: {  	s21 =	sand.u32 $0x380, s21;
	s20 =	sshra.s32 s20, $0x2  }
0x1a: {  	s21 =	sor.u32 s21, s20;
	s20 =	simm.s32 $0x0  }
0x1b: {  	s21 =	sadd.s32 $0x3C00, s21;
	s22 =	sand.u32 $0xC00, s20  }
0x1c: {  	s23 =	sand.u32 $0x70, s20;
	s24 =	sadd.s32 s22, s21  }
0x1d: {  	s22 =	simm.s32 $0x10;
	s23 =	sadd.s32 s23, s24  }
.LBB2_3:
0x1e: {  	p1 =	sne.s32 s22, $0x170  }
0x1f: {  	[tilespmem:s23+$0x0] =	vst v0;
	s20 =	sadd.s32 $0x80, s20;
	s23 =	smov.u32 s22;
	s22 =	sadd.s32 $0x10, s22  }
.Ltmp2:
0x20: {  	(pc) =	sbr.rel @p1 .LBB2_3-.Ltmp2, $4  }
0x21: {  	_ = 	snop  }
0x22: {  	s24 =	sand.u32 $0xC00, s20  }
0x23: {  	s23 =	sand.u32 $0x70, s23;
	s24 =	sadd.s32 s24, s21  }
0x24: {  	s23 =	sadd.s32 s23, s24  }
0x25: {  	s19 =	sadd.s32 $0x1, s19  }
0x26: {  	p1 =	sne.s32 s19, $0x60  }
.Ltmp3:
0x27: {  	_ = 	snop;
	(pc) =	sbr.rel @p1 .LBB2_2-.Ltmp3, $2  }
0x28: {  	_ =	sdelay $0x2  }
0x29: {  	[tilespmem:s23+$0x0] =	vst v0  }
0x2a: {  	s19 =	simm.s32 $0x0  }
0x2b: {  	[hbm4b:s8+s19] =	stream.linear.scatter [tilespmem:s12], [sflag:$0x2], $0x9000, $0x38;
	[tilespmem:$0xCC00] =	vst v63  }
0x2c: {  	_ = 	snop  }
0x2d: {  	[hbm4b:s9+s19] =	stream.linear.scatter [tilespmem:s12], [sflag:$0x2], $0x9000, $0x38;
	[tilespmem:$0xCC00] =	vst v63  }
0x2e: {  	_ =	swait.ge [sflag:s13], $0x9000  }
.Ltmp4:
0x2f: {  	[sflag:s13] =	ssyncset.done $0x0;
	(pc) =	sbr.rel @p0 .LBB2_12-.Ltmp4, $4  }
0x30: {  	[sflag:s13] =	ssyncadd.s32 $0xFFFF7000  }
0x31: {  	s23 =	simm.f32 $0.0e+00;
	s29 =	simm.f32 $0.0e+00;
	_ =	swait.ge [sflag:s13], $0x9000  }
0x32: {  	s30 =	simm.f32 $0.0e+00;
	s20 =	simm.s32 $0x0;
	[sflag:s13] =	ssyncset.done $0x0  }
0x33: {  	s28 =	simm.f32 $0.0e+00;
	s26 =	simm.f32 $0.0e+00;
	[sflag:s13] =	ssyncadd.s32 $0xFFFF7000  }
.LBB2_6:
0x34: {  	s21 =	smul.u32 $0xC00, s20;
	_ =	sdelay $0x1  }
0x35: {  	s24 =	smul.u32 $0x1800, s20;
	s21 =	sadd.s32 s6, s21  }
0x36: {  	s21 =	sshrl.u32 s21, $0x3  }
0x37: {  	s31 =	sadd.s32 s10, s24;
	s22 =	sadd.s32 s1, s21  }
0x38: {  	[tilespmem:s19], [sflag:$0x1] =	stream.linear.gather [hbm4b:s22+s19], $0xC00, $0x38;
	[tilespmem:$0xCC00] =	vst v63  }
0x39: {  	s28 =	sadd.s32 s2, s21;
	s22 =	sshrl.u32 s31, $0x3  }
0x3a: {  	[tilespmem:s14], [sflag:$0x1] =	stream.linear.gather [hbm4b:s28+s19], $0xC00, $0x38;
	[tilespmem:$0xCC00] =	vst v63  }
0x3b: {  	s22 =	sadd.s32 s7, s22  }
0x3c: {  	[tilespmem:s15], [sflag:$0x1] =	stream.linear.gather [hbm4b:s22+s19], $0x1800, $0x38;
	[tilespmem:$0xCC00] =	vst v63  }
0x3d: {  	_ =	swait.ge [sflag:s16], $0xC00  }
0x3e: {  	[sflag:s16] =	ssyncset.done $0x0  }
0x3f: {  	[sflag:s16] =	ssyncadd.s32 $0xFFFFF400  }
0x40: {  	_ =	swait.ge [sflag:s16], $0xC00  }
0x41: {  	[sflag:s16] =	ssyncset.done $0x0  }
0x42: {  	[sflag:s16] =	ssyncadd.s32 $0xFFFFF400  }
0x43: {  	_ =	swait.ge [sflag:s16], $0x1800  }
0x44: {  	[sflag:s16] =	ssyncset.done $0x0  }
0x45: {  	s22 =	simm.s32 $0x0;
	[sflag:s16] =	ssyncadd.s32 $0xFFFFE800  }
.LBB2_7:
0x46: {  	s25 =	smul.u32 $0x6, s22;
	s24 =	simm.s32 $0x0;
	s26 =	simm.s32 $0x0  }
0x47: {  	s26 =	sand.u32 $0x6, s26;
	s28 =	sand.u32 $0x18, s24  }
0x48: {  	s26 =	sadd.s32 s25, s26;
	s28 =	sadd.s32 s22, s28  }
0x49: {  	s31 =	sand.u32 $0x70, s24;
	s26 =	sshll.u32 s26, $0x7;
	s0 =	sshll.u32 s28, $0x7  }
0x4a: {  	s28 =	sand.u32 $0x3FFFFF80, s26;
	s24 =	sor.u32 s31, s0  }
0x4b: {  	s3 =	sor.u32 s31, s28;
	v2 =	vld [tilespmem:s24+$0xC00]  }
0x4c: {  	v3 =	vld [tilespmem:s3+$0x1800]  }
0x4d: {  	v4 =	vld [tilespmem:s3+$0x1880];
	_ =	sdelay $0x3  }
0x4e: {  	v5 =	vld [tilespmem:s24+$0x0];
	(xrf2) =	vadd.scan.msk.f32 $0xffff, v2  }
0x4f: {  	v3 =	vsub.f32 v4, v3;
	_ =	sdelay $0x1  }
0x50: {  	vm0 =	vge.f32 v3, $-8.472979070e-01  }
0x51: {  	v3 =	vsel vm0, $0x3F800000, v1  }
0x52: {  	(xrf2) =	vadd.scan.msk.f32 $0xffff, v5;
	v4 =	vmul.f32 v3, v5;
	_ =	sdelay $0x1  }
0x53: {  	(xrf2) =	vadd.scan.msk.f32 $0xffff, v4;
	_ =	sdelay $0x2  }
0x54: {  	v3, _, _ =	vpop (xrf2)  }
0x55: {  	v3 =	vadd.f32 s23, v3;
	_ =	sdelay $0x1  }
0x56: {  	(xrf0) =	vmax.scan.msk.f32 $0xffff, v3;
	_ =	sdelay $0x1  }
0x57: {  	v6, _, _ =	vpop (xrf2)  }
0x58: {  	v6 =	vadd.f32 s29, v6  }
0x59: {  	v7, _, _ =	vpop (xrf2)  }
0x5a: {  	s0 =	simm.s32 $0x0;
	vm1 =	vle.f32 v6, $1.500000000e+01;
	(xrf0) =	vmax.scan.msk.f32 $0xffff, v6;
	v7 =	vadd.f32 s30, v7  }
0x5b: {  	s28 =	simm.s32 $0x10;
	s3 =	sand.u32 $0x6, s0;
	vm0 =	vle.f32 v3, $1.800000000e+01;
	v3 =	vnsel vm1, $0x0, v5;
	v5, _, _ =	vpop (xrf0)  }
0x5c: {  	s26 =	simm.s32 $0x1;
	s23 =	sand.u32 $0x70, s28;
	s28 =	sadd.s32 s25, s3;
	vm1 =	vle.f32 v7, $3.400000000e+01;
	(v2sf) =	vpush v5, $0xF  }
0x5d: {  	s31 =	simm.s32 $0x2;
	v2 =	vadd.f32 v2, v2;
	s30 =	sshll.u32 s28, $0x7;
	s28 =	simm.s32 $0x20;
	(xrf0) =	vmax.scan.msk.f32 $0xffff, v7;
	v4 =	vnsel vm1, $0x0, v4  }
.LBB2_8:
0x5e: {  	s3 =	sand.u32 $0x70, s28  }
0x5f: {  	s30 =	sand.u32 $0x3FFFFF80, s30;
	v3 =	vadd.f32 v4, v3;
	s0 =	smov.u32 s31;
	s29 =	sadd.s32 $0x1, s31  }
0x60: {  	p1 =	sne.s32 s31, $0x17;
	s30 =	sor.u32 s23, s30;
	v4, _, _ =	vpop (xrf0)  }
0x61: {  	s31 =	sand.u32 $0x18, s26;
	v2 =	vnsel vm0, $0x0, v2;
	s26 =	smov.u32 s0;
	vm1 =	vge.f32 v3, $1.000000000e+00;
	(v2sf) =	vpush v4, $0xF  }
0x62: {  	s0 =	sadd.s32 s22, s31;
	v4 =	vsel vm1, $0x0, v0  }
0x63: {  	s0 =	sshll.u32 s0, $0x7;
	v2 =	vadd.f32 v4, v2;
	v3, _, _ =	vpop (xrf0)  }
0x64: {  	s0 =	sor.u32 s23, s0;
	s23 =	smov.u32 s3;
	(v2sf) =	vpush v3, $0xF  }
0x65: {  	v3 =	vld [tilespmem:s0+$0xC00];
	[tilespmem:s24+$0x3000] =	vst v2;
	s24 =	smov.u32 s0  }
0x66: {  	v4 =	vld [tilespmem:s30+$0x1800]  }
0x67: {  	v5 =	vld [tilespmem:s30+$0x1880];
	_ =	sdelay $0x2  }
0x68: {  	v6 =	vld [tilespmem:s24+$0x0];
	v2 =	vadd.f32 v3, v3;
	(xrf2) =	vadd.scan.msk.f32 $0xffff, v3  }
0x69: {  	s0 =	spop (v2sf)  }
0x6a: {  	v3 =	vsub.f32 v5, v4;
	_ =	sdelay $0x1  }
0x6b: {  	vm0 =	vge.f32 v3, $-8.472979070e-01  }
0x6c: {  	v3 =	vsel vm0, $0x3F800000, v1;
	(xrf2) =	vadd.scan.msk.f32 $0xffff, v6  }
0x6d: {  	v4 =	vmul.f32 v3, v6;
	s3 =	spop (v2sf);
	_ =	sdelay $0x1  }
0x6e: {  	(xrf2) =	vadd.scan.msk.f32 $0xffff, v4  }
0x6f: {  	s30 =	spop (v2sf)  }
0x70: {  	v3, _, _ =	vpop (xrf2)  }
0x71: {  	v3 =	vadd.f32 s0, v3;
	_ =	sdelay $0x1  }
0x72: {  	vm0 =	vle.f32 v3, $1.800000000e+01;
	(xrf0) =	vmax.scan.msk.f32 $0xffff, v3;
	_ =	sdelay $0x1  }
0x73: {  	v3, _, _ =	vpop (xrf2)  }
0x74: {  	v3 =	vadd.f32 s3, v3;
	_ =	sdelay $0x1  }
.Ltmp5:
0x75: {  	vm1 =	vle.f32 v3, $1.500000000e+01;
	v5, _, _ =	vpop (xrf2);
	(xrf0) =	vmax.scan.msk.f32 $0xffff, v3;
	(pc) =	sbr.rel @p1 .LBB2_8-.Ltmp5, $4  }
0x76: {  	s0 =	sshrl.u32 s26, $0x2;
	v5 =	vadd.f32 s30, v5;
	v3 =	vnsel vm1, $0x0, v6;
	v6, _, _ =	vpop (xrf0)  }
0x77: {  	s0 =	sand.u32 $0x6, s0;
	(v2sf) =	vpush v6, $0xF  }
0x78: {  	s0 =	sadd.s32 s25, s0;
	vm1 =	vle.f32 v5, $3.400000000e+01;
	(xrf0) =	vmax.scan.msk.f32 $0xffff, v5  }
0x79: {  	s28 =	sadd.s32 $0x10, s28;
	s31 =	smov.u32 s29;
	s30 =	sshll.u32 s0, $0x7;
	v4 =	vnsel vm1, $0x0, v4  }
0x7a: {  	v3 =	vadd.f32 v4, v3;
	_ =	sdelay $0x1  }
0x7b: {  	s0 =	sand.u32 $0x18, s26;
	vm1 =	vge.f32 v3, $1.000000000e+00  }
0x7c: {  	v2 =	vnsel vm0, $0x0, v2;
	s0 =	sadd.s32 s22, s0;
	v3 =	vsel vm1, $0x0, v0  }
0x7d: {  	s0 =	sshll.u32 s0, $0x7;
	v2 =	vadd.f32 v3, v2  }
0x7e: {  	s3 =	sand.u32 $0x3FFFFF80, s30;
	s0 =	sor.u32 s23, s0  }
0x7f: {  	s3 =	sor.u32 s23, s3;
	v3 =	vld [tilespmem:s0+$0xC00];
	[tilespmem:s24+$0x3000] =	vst v2  }
0x80: {  	v2 =	vld [tilespmem:s3+$0x1800]  }
0x81: {  	v58 =	vld [tilespmem:s3+$0x1880];
	_ =	sdelay $0x3  }
0x82: {  	v5, _, _ =	vpop (xrf0);
	v6 =	vld [tilespmem:s0+$0x0]  }
0x83: {  	(v2sf) =	vpush v5, $0xF;
	v59, _, _ =	vpop (xrf0);
	v2 =	vsub.f32 v58, v2  }
0x84: {  	(v2sf) =	vpush v59, $0xF  }
0x85: {  	vm11 =	vge.f32 v2, $-8.472979070e-01  }
0x86: {  	v2 =	vsel vm11, $0x3F800000, v1  }
0x87: {  	(xrf2) =	vadd.scan.msk.f32 $0xffff, v3;
	v2 =	vmul.f32 v2, v6  }
0x88: {  	(xrf2) =	vadd.scan.msk.f32 $0xffff, v6  }
0x89: {  	(xrf2) =	vadd.scan.msk.f32 $0xffff, v2;
	_ =	sdelay $0x7  }
0x8a: {  	s26 =	spop (v2sf);
	v60, _, _ =	vpop (xrf2)  }
0x8b: {  	s28 =	spop (v2sf);
	v4 =	vadd.f32 s26, v60;
	v61, _, _ =	vpop (xrf2)  }
0x8c: {  	s31 =	spop (v2sf);
	v5 =	vadd.f32 s28, v61;
	v7, _, _ =	vpop (xrf2)  }
0x8d: {  	(xrf0) =	vmax.scan.msk.f32 $0xffff, v4;
	v7 =	vadd.f32 s31, v7  }
0x8e: {  	(xrf0) =	vmax.scan.msk.f32 $0xffff, v5  }
0x8f: {  	(xrf0) =	vmax.scan.msk.f32 $0xffff, v7;
	_ =	sdelay $0x3  }
0x90: {  	v8, _, _ =	vpop (xrf0)  }
0x91: {  	(v2sf) =	vpush v8, $0xF;
	v62, _, _ =	vpop (xrf0)  }
0x92: {  	(v2sf) =	vpush v62, $0xF;
	v63, _, _ =	vpop (xrf0)  }
0x93: {  	(v2sf) =	vpush v63, $0xF;
	_ =	sdelay $0x6  }
0x94: {  	vm12 =	vle.f32 v5, $1.500000000e+01;
	vm13 =	vle.f32 v7, $3.400000000e+01  }
0x95: {  	v5 =	vnsel vm12, $0x0, v6;
	v2 =	vnsel vm13, $0x0, v2  }
0x96: {  	s22 =	sadd.s32 $0x1, s22;
	v2 =	vadd.f32 v2, v5  }
0x97: {  	p1 =	sne.s32 s22, $0x8;
	v3 =	vadd.f32 v3, v3  }
.Ltmp6:
0x98: {  	vm14 =	vle.f32 v4, $1.800000000e+01;
	vm15 =	vge.f32 v2, $1.000000000e+00;
	(pc) =	sbr.rel @p1 .LBB2_7-.Ltmp6, $4  }
0x99: {  	v2 =	vnsel vm14, $0x0, v3;
	v3 =	vsel vm15, $0x0, v0  }
0x9a: {  	v2 =	vadd.f32 v3, v2;
	s23 =	spop (v2sf)  }
0x9b: {  	s29 =	spop (v2sf)  }
0x9c: {  	[tilespmem:s0+$0x3000] =	vst v2;
	s30 =	spop (v2sf)  }
0x9d: {  	p1 =	sge.f32 s30, $3.400000000e+01;
	p2 =	sge.f32 s29, $1.500000000e+01  }
0x9e: {  	p3 =	sge.f32 s23, $1.800000000e+01  }
0x9f: {  	p1 =	por !p1, !p1;
	p2 =	por !p2, !p2  }
0xa0: {  	p6 =	por !p3, !p3;
	p1 =	por p1, p2  }
0xa1: {  	p2 =	por p1, p6;
	p1 =	sgt.u32 s20, $0x16  }
0xa2: {  	p2 =	por p1, !p2  }
.Ltmp7:
0xa3: {  	s0 =	sadd.s32 s4, s21;
	(pc) =	sbr.rel @!p2 .LBB2_6-.Ltmp7, $4  }
0xa4: {  	[hbm4b:s0+s5] =	stream.linear.scatter [tilespmem:s17], [sflag:$0x1], $0xC00, $0x38;
	[tilespmem:$0xCC00] =	vst v63  }
0xa5: {  	_ =	swait.ge [sflag:s16], $0xC00  }
0xa6: {  	[sflag:s16] =	ssyncset.done $0x0  }
0xa7: {  	s20 =	sadd.s32 $0x1, s20;
	[sflag:s16] =	ssyncadd.s32 $0xFFFFF400  }
0xa8: {  	s30 =	smov.u32 @p1 s30;
	s29 =	smov.u32 @p1 s29;
	s26 =	smov.u32 s23  }
0xa9: {  	s26 =	smov.u32 @p1 s23;
	s23 =	smov.u32 s30;
	s28 =	smov.u32 s29  }
.LBB2_12:
0xaa: {  	p1 =	sge.f32 s23, $3.400000000e+01;
	p2 =	sge.f32 s28, $1.500000000e+01  }
0xab: {  	p3 =	sge.f32 s26, $1.800000000e+01  }
0xac: {  	p1 =	por !p1, !p1;
	p2 =	por !p2, !p2  }
0xad: {  	p6 =	por !p3, !p3;
	p1 =	por p1, p2  }
0xae: {  	p1 =	por p1, p6  }
0xaf: {  	p1 =	por p0, !p1  }
.Ltmp8:
0xb0: {  	_ = 	snop;
	(pc) =	sbr.rel @p1 .LBB2_18-.Ltmp8, $3  }
0xb1: {  	_ =	sdelay $0x1  }
0xb2: {  	[bflag:$0x0] =	sbarrier.arrive $0xFFFF  }
0xb3: {  	s19 =	simm.s32 $0x18  }
.LBB2_13:
0xb4: {  	s0 =	smul.u32 $0xC00, s19;
	_ =	sdelay $0x1  }
0xb5: {  	s3 =	smul.u32 $0x1800, s19;
	s0 =	sadd.s32 s6, s0  }
0xb6: {  	s20 =	sshrl.u32 s0, $0x3  }
0xb7: {  	s21 =	simm.s32 $0x0;
	s31 =	sadd.s32 s10, s3;
	s0 =	sadd.s32 s1, s20  }
0xb8: {  	[tilespmem:s21], [sflag:$0x1] =	stream.linear.gather [hbm4b:s0+s21], $0xC00, $0x38;
	[tilespmem:$0xCC00] =	vst v63  }
0xb9: {  	s30 =	sadd.s32 s2, s20;
	s0 =	sshrl.u32 s31, $0x3  }
0xba: {  	[tilespmem:s14], [sflag:$0x1] =	stream.linear.gather [hbm4b:s30+s21], $0xC00, $0x38;
	[tilespmem:$0xCC00] =	vst v63  }
0xbb: {  	s0 =	sadd.s32 s7, s0  }
0xbc: {  	[tilespmem:s15], [sflag:$0x1] =	stream.linear.gather [hbm4b:s0+s21], $0x1800, $0x38;
	[tilespmem:$0xCC00] =	vst v63  }
0xbd: {  	_ =	swait.ge [sflag:s16], $0xC00  }
0xbe: {  	[sflag:s16] =	ssyncset.done $0x0  }
0xbf: {  	[sflag:s16] =	ssyncadd.s32 $0xFFFFF400  }
0xc0: {  	_ =	swait.ge [sflag:s16], $0xC00  }
0xc1: {  	[sflag:s16] =	ssyncset.done $0x0  }
0xc2: {  	[sflag:s16] =	ssyncadd.s32 $0xFFFFF400  }
0xc3: {  	_ =	swait.ge [sflag:s16], $0x1800  }
0xc4: {  	[sflag:s16] =	ssyncset.done $0x0  }
0xc5: {  	s22 =	simm.s32 $0x0;
	[sflag:s16] =	ssyncadd.s32 $0xFFFFE800  }
.LBB2_14:
0xc6: {  	s25 =	smul.u32 $0x6, s22;
	s0 =	simm.s32 $0x0  }
0xc7: {  	s3 =	sand.u32 $0x18, s21;
	s0 =	sand.u32 $0x6, s0  }
0xc8: {  	s3 =	sadd.s32 s22, s3;
	s0 =	sadd.s32 s25, s0  }
0xc9: {  	s29 =	sand.u32 $0x70, s21;
	s3 =	sshll.u32 s3, $0x7;
	s0 =	sshll.u32 s0, $0x7  }
0xca: {  	s24 =	sor.u32 s29, s3;
	s0 =	sand.u32 $0x3FFFFF80, s0  }
0xcb: {  	v2 =	vld [tilespmem:s24+$0xC00];
	s0 =	sor.u32 s29, s0  }
0xcc: {  	v3 =	vld [tilespmem:s0+$0x1800]  }
0xcd: {  	v4 =	vld [tilespmem:s0+$0x1880];
	_ =	sdelay $0x3  }
0xce: {  	v5 =	vld [tilespmem:s24+$0x0];
	(xrf2) =	vadd.scan.msk.f32 $0xffff, v2  }
0xcf: {  	v3 =	vsub.f32 v4, v3;
	_ =	sdelay $0x1  }
0xd0: {  	vm0 =	vge.f32 v3, $-8.472979070e-01  }
0xd1: {  	v3 =	vsel vm0, $0x3F800000, v1  }
0xd2: {  	(xrf2) =	vadd.scan.msk.f32 $0xffff, v5;
	v4 =	vmul.f32 v3, v5;
	_ =	sdelay $0x1  }
0xd3: {  	(xrf2) =	vadd.scan.msk.f32 $0xffff, v4;
	_ =	sdelay $0x2  }
0xd4: {  	v3, _, _ =	vpop (xrf2)  }
0xd5: {  	v3 =	vadd.f32 s26, v3;
	_ =	sdelay $0x1  }
0xd6: {  	(xrf0) =	vmax.scan.msk.f32 $0xffff, v3;
	_ =	sdelay $0x1  }
0xd7: {  	v6, _, _ =	vpop (xrf2)  }
0xd8: {  	v6 =	vadd.f32 s28, v6  }
0xd9: {  	v7, _, _ =	vpop (xrf2)  }
0xda: {  	s26 =	simm.s32 $0x0;
	vm1 =	vle.f32 v6, $1.500000000e+01;
	(xrf0) =	vmax.scan.msk.f32 $0xffff, v6;
	v7 =	vadd.f32 s23, v7  }
0xdb: {  	s31 =	simm.s32 $0x2;
	s0 =	sand.u32 $0x6, s26;
	vm0 =	vle.f32 v3, $1.800000000e+01;
	v3 =	vnsel vm1, $0x0, v5;
	v5, _, _ =	vpop (xrf0)  }
0xdc: {  	s29 =	simm.s32 $0x10;
	s26 =	simm.s32 $0x1;
	s0 =	sadd.s32 s25, s0;
	(v2sf) =	vpush v5, $0xF;
	vm1 =	vle.f32 v7, $3.400000000e+01  }
0xdd: {  	v2 =	vadd.f32 v2, v2;
	s28 =	simm.s32 $0x20;
	s30 =	sshll.u32 s0, $0x7;
	s23 =	sand.u32 $0x70, s29;
	(xrf0) =	vmax.scan.msk.f32 $0xffff, v7;
	v4 =	vnsel vm1, $0x0, v4  }
.LBB2_15:
0xde: {  	s0 =	sand.u32 $0x70, s28  }
0xdf: {  	s3 =	sand.u32 $0x3FFFFF80, s30;
	v3 =	vadd.f32 v4, v3;
	s30 =	smov.u32 s31;
	s29 =	sadd.s32 $0x1, s31  }
0xe0: {  	p1 =	sne.s32 s31, $0x17;
	s3 =	sor.u32 s23, s3;
	v4, _, _ =	vpop (xrf0)  }
0xe1: {  	s31 =	sand.u32 $0x18, s26;
	v2 =	vnsel vm0, $0x0, v2;
	s26 =	smov.u32 s30;
	vm1 =	vge.f32 v3, $1.000000000e+00;
	(v2sf) =	vpush v4, $0xF  }
0xe2: {  	s30 =	sadd.s32 s22, s31;
	v4 =	vsel vm1, $0x0, v0  }
0xe3: {  	s30 =	sshll.u32 s30, $0x7;
	v2 =	vadd.f32 v4, v2;
	v3, _, _ =	vpop (xrf0)  }
0xe4: {  	s30 =	sor.u32 s23, s30;
	s23 =	smov.u32 s0;
	(v2sf) =	vpush v3, $0xF  }
0xe5: {  	v3 =	vld [tilespmem:s30+$0xC00];
	[tilespmem:s24+$0x3000] =	vst v2;
	s24 =	smov.u32 s30  }
0xe6: {  	v4 =	vld [tilespmem:s3+$0x1800]  }
0xe7: {  	v5 =	vld [tilespmem:s3+$0x1880];
	_ =	sdelay $0x2  }
0xe8: {  	v6 =	vld [tilespmem:s24+$0x0];
	v2 =	vadd.f32 v3, v3;
	(xrf2) =	vadd.scan.msk.f32 $0xffff, v3  }
0xe9: {  	s0 =	spop (v2sf)  }
0xea: {  	v3 =	vsub.f32 v5, v4;
	_ =	sdelay $0x1  }
0xeb: {  	vm0 =	vge.f32 v3, $-8.472979070e-01  }
0xec: {  	v3 =	vsel vm0, $0x3F800000, v1;
	(xrf2) =	vadd.scan.msk.f32 $0xffff, v6  }
0xed: {  	v4 =	vmul.f32 v3, v6;
	s3 =	spop (v2sf);
	_ =	sdelay $0x1  }
0xee: {  	(xrf2) =	vadd.scan.msk.f32 $0xffff, v4  }
0xef: {  	s30 =	spop (v2sf)  }
0xf0: {  	v3, _, _ =	vpop (xrf2)  }
0xf1: {  	v3 =	vadd.f32 s0, v3;
	_ =	sdelay $0x1  }
0xf2: {  	vm0 =	vle.f32 v3, $1.800000000e+01;
	(xrf0) =	vmax.scan.msk.f32 $0xffff, v3;
	_ =	sdelay $0x1  }
0xf3: {  	v3, _, _ =	vpop (xrf2)  }
0xf4: {  	v3 =	vadd.f32 s3, v3;
	_ =	sdelay $0x1  }
.Ltmp9:
0xf5: {  	vm1 =	vle.f32 v3, $1.500000000e+01;
	v5, _, _ =	vpop (xrf2);
	(xrf0) =	vmax.scan.msk.f32 $0xffff, v3;
	(pc) =	sbr.rel @p1 .LBB2_15-.Ltmp9, $4  }
0xf6: {  	s0 =	sshrl.u32 s26, $0x2;
	v5 =	vadd.f32 s30, v5;
	v3 =	vnsel vm1, $0x0, v6;
	v6, _, _ =	vpop (xrf0)  }
0xf7: {  	s0 =	sand.u32 $0x6, s0;
	(v2sf) =	vpush v6, $0xF  }
0xf8: {  	s0 =	sadd.s32 s25, s0;
	vm1 =	vle.f32 v5, $3.400000000e+01;
	(xrf0) =	vmax.scan.msk.f32 $0xffff, v5  }
0xf9: {  	s28 =	sadd.s32 $0x10, s28;
	s31 =	smov.u32 s29;
	s30 =	sshll.u32 s0, $0x7;
	v4 =	vnsel vm1, $0x0, v4  }
0xfa: {  	v3 =	vadd.f32 v4, v3;
	_ =	sdelay $0x1  }
0xfb: {  	s0 =	sand.u32 $0x18, s26;
	vm1 =	vge.f32 v3, $1.000000000e+00  }
0xfc: {  	v2 =	vnsel vm0, $0x0, v2;
	s0 =	sadd.s32 s22, s0;
	v3 =	vsel vm1, $0x0, v0  }
0xfd: {  	s0 =	sshll.u32 s0, $0x7;
	v2 =	vadd.f32 v3, v2  }
0xfe: {  	s3 =	sand.u32 $0x3FFFFF80, s30;
	s0 =	sor.u32 s23, s0  }
0xff: {  	s3 =	sor.u32 s23, s3;
	v3 =	vld [tilespmem:s0+$0xC00];
	[tilespmem:s24+$0x3000] =	vst v2  }
0x100: {  	v2 =	vld [tilespmem:s3+$0x1800]  }
0x101: {  	v58 =	vld [tilespmem:s3+$0x1880];
	_ =	sdelay $0x3  }
0x102: {  	v5, _, _ =	vpop (xrf0);
	v6 =	vld [tilespmem:s0+$0x0]  }
0x103: {  	(v2sf) =	vpush v5, $0xF;
	v59, _, _ =	vpop (xrf0);
	v2 =	vsub.f32 v58, v2  }
0x104: {  	(v2sf) =	vpush v59, $0xF  }
0x105: {  	vm11 =	vge.f32 v2, $-8.472979070e-01  }
0x106: {  	v2 =	vsel vm11, $0x3F800000, v1  }
0x107: {  	(xrf2) =	vadd.scan.msk.f32 $0xffff, v3;
	v2 =	vmul.f32 v2, v6  }
0x108: {  	(xrf2) =	vadd.scan.msk.f32 $0xffff, v6  }
0x109: {  	(xrf2) =	vadd.scan.msk.f32 $0xffff, v2;
	_ =	sdelay $0x7  }
0x10a: {  	s29 =	spop (v2sf);
	v60, _, _ =	vpop (xrf2)  }
0x10b: {  	s30 =	spop (v2sf);
	v4 =	vadd.f32 s29, v60;
	v61, _, _ =	vpop (xrf2)  }
0x10c: {  	s31 =	spop (v2sf);
	v5 =	vadd.f32 s30, v61;
	v7, _, _ =	vpop (xrf2)  }
0x10d: {  	(xrf0) =	vmax.scan.msk.f32 $0xffff, v4;
	v7 =	vadd.f32 s31, v7  }
0x10e: {  	(xrf0) =	vmax.scan.msk.f32 $0xffff, v5  }
0x10f: {  	(xrf0) =	vmax.scan.msk.f32 $0xffff, v7;
	_ =	sdelay $0x3  }
0x110: {  	v8, _, _ =	vpop (xrf0)  }
0x111: {  	(v2sf) =	vpush v8, $0xF;
	v62, _, _ =	vpop (xrf0)  }
0x112: {  	(v2sf) =	vpush v62, $0xF;
	v63, _, _ =	vpop (xrf0)  }
0x113: {  	(v2sf) =	vpush v63, $0xF;
	_ =	sdelay $0x6  }
0x114: {  	vm12 =	vle.f32 v5, $1.500000000e+01;
	vm13 =	vle.f32 v7, $3.400000000e+01  }
0x115: {  	v5 =	vnsel vm12, $0x0, v6;
	v2 =	vnsel vm13, $0x0, v2  }
0x116: {  	s22 =	sadd.s32 $0x1, s22;
	v2 =	vadd.f32 v2, v5  }
0x117: {  	p1 =	sne.s32 s22, $0x8;
	v3 =	vadd.f32 v3, v3  }
.Ltmp10:
0x118: {  	vm14 =	vle.f32 v4, $1.800000000e+01;
	vm15 =	vge.f32 v2, $1.000000000e+00;
	(pc) =	sbr.rel @p1 .LBB2_14-.Ltmp10, $4  }
0x119: {  	v2 =	vnsel vm14, $0x0, v3;
	v3 =	vsel vm15, $0x0, v0  }
0x11a: {  	v2 =	vadd.f32 v3, v2;
	s26 =	spop (v2sf)  }
0x11b: {  	s28 =	spop (v2sf)  }
0x11c: {  	[tilespmem:s0+$0x3000] =	vst v2;
	s23 =	spop (v2sf)  }
0x11d: {  	p1 =	sge.f32 s23, $3.400000000e+01  }
0x11e: {  	s0 =	sadd.s32 s4, s20;
	p2 =	sge.f32 s28, $1.500000000e+01;
	p3 =	sge.f32 s26, $1.800000000e+01  }
0x11f: {  	[hbm4b:s0+s5] =	stream.linear.scatter [tilespmem:s17], [sflag:$0x1], $0xC00, $0x38;
	[tilespmem:$0xCC00] =	vst v63  }
0x120: {  	p1 =	por !p1, !p1;
	p2 =	por !p2, !p2  }
0x121: {  	p5 =	por !p3, !p3;
	p1 =	por p1, p2  }
0x122: {  	p6 =	sgt.u32 s19, $0x2E;
	p1 =	por p1, p5  }
0x123: {  	p1 =	por p6, !p1  }
.Ltmp11:
0x124: {  	_ = 	snop;
	(pc) =	sbr.rel @!p1 .LBB2_13-.Ltmp11, $4  }
.Ltmp12:
0x125: {  	_ = 	snop;
	(pc) =	sbr.rel @p1 .LBB2_18-.Ltmp12, $4  }
0x126: {  	_ =	swait.ge [sflag:s16], $0xC00  }
0x127: {  	[sflag:s16] =	ssyncset.done $0x0  }
0x128: {  	s19 =	sadd.s32 $0x1, s19;
	[sflag:s16] =	ssyncadd.s32 $0xFFFFF400  }
0x129: {  	_ = 	snop  }
.LBB2_19:
0x12a: {  	_ =	sfence.sel $0x180000  }
0x12b: {  	[bflag:$0x0] =	sbarrier.arrive $0xFFFF  }
0x12c: {  	_ =	strace $0x90000047  }
0x12d: {  	s0 =	stileid.u32;
	[bflag:$0x2] =	sbarrier.arrive $0xFFFF  }
0x12e: {  	p0 =	sne.s32 s0, $0x0;
	s0 =	rddreg [dreg:$0x4]  }
0x12f: {  	s0 =	sadd.s32 @!p0 $0x100000, s0  }
0x130: {  	[sflag:s0] =	ssyncadd.tile.s32 @!p0 $0x1;
	_ =	shalt  }
.Lfunc_end2:
_tile_overlayer_lowered:
.L_overlay_start_2:
0x131: {  	(tag) =	ssettag $0x2  }
0x132: {  	s0 =	rddreg [dreg:$0x0];
	s2 =	stileid.u32  }
0x133: {  	s1 =	rddreg [dreg:$0x1];
	p0 =	sne.s32 s2, $0x0  }
0x134: {  	s3 =	rddreg [dreg:$0x2];
	[bflag:$0x3] =	sbarrier.arrive $0xFFFF;
	s2 =	simm.s32 @!p0 $0x1C03  }
0x135: {  	[timem:s3], [sflag:s2] =	dma.local @!p0 [hbm:s0], s1  }
0x136: {  	s0 =	simm.s32 @!p0 $0x3  }
0x137: {  	_ =	swait.ge @!p0 [sflag:s0], s1  }
0x138: {  	s1 =	ssub.s32 @!p0 $0x0, s1;
	[sflag:s0] =	ssyncset.done @!p0 $0x0  }
0x139: {  	[sflag:s0] =	ssyncadd.s32 @!p0 s1  }
0x13a: {  	[bflag:$0x3] =	sbarrier.arrive $0xFFFF  }
0x13b: {  	_ =	shalt  }

</sc_bundles>
